<compile_context>
chip_gen: v7x
topology: tpu7x:2x2x1
jax: 0.10.2.dev20260603
libtpu: 0.0.44.dev20260713+nightly
codegen_flags: <defaults>
</compile_context>

<pallas_src>
import jax
import jax.numpy as jnp
from jax import lax
from jax.experimental import pallas as pl
from jax.experimental.pallas import tpu as pltpu
from jax.experimental.pallas import tpu_sc as plsc

B = 16
N = 8192
NSAMP = 2048
L = 16
NHALF = N // 2
NCHUNK = NHALF // L


def _fps_body(xyz_hbm, out_hbm, x_v, y_v, z_v, dist_v, idx_v, mail):
    s = lax.axis_index("s")
    c = lax.axis_index("c")
    b = c * 8 + s // 2
    half = s % 2
    base = half * NHALF

    pltpu.sync_copy(xyz_hbm.at[pl.ds(b * 3 * N, N)], x_v)
    pltpu.sync_copy(xyz_hbm.at[pl.ds((b * 3 + 1) * N, N)], y_v)
    pltpu.sync_copy(xyz_hbm.at[pl.ds((b * 3 + 2) * N, N)], z_v)

    def _init(j, carry):
        dist_v[pl.ds(j * L, L)] = jnp.full((L,), 1e10, jnp.float32)
        return carry

    lax.fori_loop(0, NCHUNK, _init, 0)

    for k in range(4):
        mail[k] = 0
    plsc.subcore_barrier()

    lanes = lax.iota(jnp.int32, L)

    def fps_round(i, state):
        fvec, pb0, pi0, pb1, pi1 = state
        cxv = plsc.load_gather(x_v, [fvec])
        cyv = plsc.load_gather(y_v, [fvec])
        czv = plsc.load_gather(z_v, [fvec])
        plsc.store_scatter(
            idx_v, [jnp.full((L,), i, jnp.int32)], fvec, mask=lanes == 0
        )

        carry0 = (jnp.full((L,), -1.0, jnp.float32),
                  jnp.zeros((L,), jnp.int32))

        @plsc.parallel_loop(0, NCHUNK, step=1, unroll=16, carry=carry0)
        def chunk(j, carry):
            rmax, ridx = carry
            sl = pl.ds(base + j * L, L)
            dx = x_v[sl] - cxv
            dy = y_v[sl] - cyv
            dz = z_v[sl] - czv
            d = (dx * dx + dz * dz) + dy * dy
            nd = jnp.minimum(dist_v[pl.ds(j * L, L)], d)
            dist_v[pl.ds(j * L, L)] = nd
            m = nd > rmax
            rmax = jnp.where(m, nd, rmax)
            ridx = jnp.where(m, jnp.full((L,), j, jnp.int32), ridx)
            return rmax, ridx

        rmax, ridx = chunk
        gmax = jnp.max(rmax)
        gidx = base + ridx * L + lanes
        lidx = jnp.min(jnp.where(rmax == gmax, gidx, jnp.int32(2**30)))

        mybits = lax.bitcast_convert_type(gmax, jnp.int32)
        mypacked = ((i + 1) << 13) | lidx
        even = i % 2 == 0
        o = jnp.where(even, 0, 2)
        partner = s ^ 1
        prevb = jnp.where(even, pb0, pb1)
        prevp = jnp.where(even, pi0, pi1)
        plsc.fetch_and_add(mail.at[o], mybits - prevb, subcore_id=partner)
        plsc.fetch_and_add(mail.at[o + 1], mypacked - prevp,
                           subcore_id=partner)

        def _spin_cond(packed):
            return (packed >> 13) != i + 1

        def _spin_body(packed):
            return plsc.fetch_and_add(mail.at[o + 1], 0, subcore_id=s)

        ppacked = lax.while_loop(_spin_cond, _spin_body, jnp.int32(0))
        pidx = ppacked & (2**13 - 1)
        pbits = plsc.fetch_and_add(mail.at[o], 0, subcore_id=s)
        take = (pbits > mybits) | ((pbits == mybits) & (pidx < lidx))
        far = jnp.where(take, jnp.clip(pidx, 0, N - 1), lidx)
        fvec = jnp.full((L,), far, jnp.int32)
        pb0 = jnp.where(even, mybits, pb0)
        pi0 = jnp.where(even, mypacked, pi0)
        pb1 = jnp.where(even, pb1, mybits)
        pi1 = jnp.where(even, pi1, mypacked)
        return fvec, pb0, pi0, pb1, pi1

    z = jnp.int32(0)
    lax.fori_loop(0, NSAMP, fps_round,
                  (jnp.zeros((L,), jnp.int32), z, z, z, z))

    @pl.when(half == 0)
    def _():
        pltpu.sync_copy(idx_v, out_hbm.at[pl.ds(b * NSAMP, NSAMP)])


@jax.jit
def _fps(xyz):
    mesh = plsc.VectorSubcoreMesh(core_axis_name="c", subcore_axis_name="s")
    flat = pl.kernel(
        _fps_body,
        out_type=jax.ShapeDtypeStruct((B * NSAMP,), jnp.int32),
        mesh=mesh,
        compiler_params=pltpu.CompilerParams(needs_layout_passes=False),
        scratch_types=[
            pltpu.VMEM((N,), jnp.float32),
            pltpu.VMEM((N,), jnp.float32),
            pltpu.VMEM((N,), jnp.float32),
            pltpu.VMEM((NHALF,), jnp.float32),
            pltpu.VMEM((NSAMP,), jnp.int32),
            pltpu.SMEM((4,), jnp.int32),
        ],
    )(xyz.reshape(B * 3 * N))
    return flat.reshape(B, NSAMP)


def kernel(xyz):
    return _fps(xyz)

# --- scband reference (transcript-rebuilt; emitter-appended) ---
"""Pipeline reference for scband-sample-14482629722280 (READ-ONLY COPY).

The authoritative reference and input builder live on the scoring server;
editing this copy changes nothing except your own understanding.
"""

import jax, jax.numpy as jnp
import numpy as np

NPOINT = 2048

def setup_inputs(seed: int = 0) -> dict:
    key = jax.random.key(seed)
    xyz = jax.random.normal(key, (16, 3, 8192), dtype=jnp.float32)
    return {"xyz": xyz}

def _furthest_point_sampling(pts, npoint):
    # pts: [B, N, 3] float32 -> indices [B, npoint] int32
    B, N, _ = pts.shape

    def body(i, state):
        dist, idxs, farthest = state
        centroid = jnp.take_along_axis(pts, farthest[:, None, None], axis=1)  # [B,1,3]
        d = jnp.sum((pts - centroid) ** 2, axis=-1)  # [B,N]
        dist = jnp.minimum(dist, d)
        idxs = idxs.at[:, i].set(farthest)
        farthest = jnp.argmax(dist, axis=-1).astype(jnp.int32)
        return (dist, idxs, farthest)

    dist0 = jnp.full((B, N), 1e10, dtype=jnp.float32)
    idxs0 = jnp.zeros((B, npoint), dtype=jnp.int32)
    far0 = jnp.zeros((B,), dtype=jnp.int32)  # CUDA FPS kernel starts from index 0
    _, idxs, _ = jax.lax.fori_loop(0, npoint, body, (dist0, idxs0, far0))
    return idxs

def reference(xyz):
    # Faithful translation of Sample.forward with fps=True:
    #   xyz_ind = furthest_point_sampling(xyz.permute(0, 2, 1).contiguous().float(), npoint)
    pts = jnp.transpose(xyz, (0, 2, 1)).astype(jnp.float32)  # [B, N, 3]
    xyz_ind = _furthest_point_sampling(pts, NPOINT)
    return xyz_ind

if __name__ == "__main__":
    import jax
    _d = setup_inputs()
    print(jax.jit(kernel)(*tuple(_d.values())))

</pallas_src>

<mosaic_0001>
#map = affine_map<(d0, d1) -> (0)>
module attributes {stable_mosaic.version = 14 : i64} {
  func.func @_fps_body(%arg0: i32, %arg1: i32, %arg2: memref<393216xf32, #tpu.memory_space<hbm>>, %arg3: memref<32768xi32, #tpu.memory_space<hbm>>, %arg4: memref<8192xf32, #tpu.memory_space<vmem>>, %arg5: memref<8192xf32, #tpu.memory_space<vmem>>, %arg6: memref<8192xf32, #tpu.memory_space<vmem>>, %arg7: memref<4096xf32, #tpu.memory_space<vmem>>, %arg8: memref<2048xi32, #tpu.memory_space<vmem>>, %arg9: memref<4xi32, #tpu.memory_space<smem>>) attributes {dimension_semantics = [#tpu.dimension_semantics<core_parallel>, #tpu.dimension_semantics<subcore_parallel>], iteration_bounds = array<i64: 2, 16>, scalar_prefetch = 0 : i64, scratch_operands = 6 : i64, tpu.core_type = #tpu.core_type<sc_vector_subcore>, window_params = [{transform_indices = #map}, {transform_indices = #map}]} {
    %mul3A = arith.constant 8 : i32
    %mul3A_0 = arith.muli %arg0, %mul3A : i32
    %jit3A = arith.constant 2 : i32
    %div3A = arith.divsi %arg1, %jit3A : i32
    %sign3A = arith.constant 0 : i32
    %sign3A_1 = arith.cmpi sgt, %arg1, %sign3A : i32
    %sign3A_2 = arith.extui %sign3A_1 : i1 to i32
    %sign3A_3 = arith.constant 0 : i32
    %sign3A_4 = arith.cmpi slt, %arg1, %sign3A_3 : i32
    %sign3A_5 = arith.extui %sign3A_4 : i1 to i32
    %sign3A_6 = arith.subi %sign3A_2, %sign3A_5 : i32
    %sign3A_7 = arith.constant 0 : i32
    %sign3A_8 = arith.cmpi sgt, %jit3A, %sign3A_7 : i32
    %sign3A_9 = arith.extui %sign3A_8 : i1 to i32
    %sign3A_10 = arith.constant 0 : i32
    %sign3A_11 = arith.cmpi slt, %jit3A, %sign3A_10 : i32
    %sign3A_12 = arith.extui %sign3A_11 : i1 to i32
    %sign3A_13 = arith.subi %sign3A_9, %sign3A_12 : i32
    %ne3A = arith.cmpi ne, %sign3A_6, %sign3A_13 : i32
    %rem3A = arith.remsi %arg1, %jit3A : i32
    %ne3A_14 = arith.constant 0 : i32
    %ne3A_15 = arith.cmpi ne, %rem3A, %ne3A_14 : i32
    %and3A = arith.andi %ne3A, %ne3A_15 : i1
    %sub3A = arith.constant 1 : i32
    %sub3A_16 = arith.subi %div3A, %sub3A : i32
    %select_n3A = arith.select %and3A, %sub3A_16, %div3A : i32
    %add3A = arith.addi %mul3A_0, %select_n3A : i32
    %jit3A_17 = arith.constant 2 : i32
    %eq3A = arith.constant 0 : i32
    %eq3A_18 = arith.cmpi eq, %jit3A_17, %eq3A : i32
    %jit3A_19 = arith.constant 1 : i32
    %select_n3A_20 = arith.select %eq3A_18, %jit3A_19, %jit3A_17 : i32
    %rem3A_21 = arith.remsi %arg1, %select_n3A_20 : i32
    %ne3A_22 = arith.constant 0 : i32
    %ne3A_23 = arith.cmpi ne, %rem3A_21, %ne3A_22 : i32
    %lt3A = arith.constant 0 : i32
    %lt3A_24 = arith.cmpi slt, %rem3A_21, %lt3A : i32
    %lt3A_25 = arith.constant 0 : i32
    %lt3A_26 = arith.cmpi slt, %select_n3A_20, %lt3A_25 : i32
    %ne3A_27 = arith.xori %lt3A_24, %lt3A_26 : i1
    %and3A_28 = arith.andi %ne3A_27, %ne3A_23 : i1
    %add3A_29 = arith.addi %rem3A_21, %select_n3A_20 : i32
    %select_n3A_30 = arith.select %and3A_28, %add3A_29, %rem3A_21 : i32
    %mul3A_31 = arith.constant 4096 : i32
    %mul3A_32 = arith.muli %select_n3A_30, %mul3A_31 : i32
    %mul3A_33 = arith.constant 3 : i32
    %mul3A_34 = arith.muli %add3A, %mul3A_33 : i32
    %mul3A_35 = arith.constant 8192 : i32
    %mul3A_36 = arith.muli %mul3A_34, %mul3A_35 : i32
    "tpu.region"() ({
      %run_scoped3A = tpu.sem_alloc : memref<!tpu.dma_semaphore, #tpu.memory_space<semaphore_mem>>
      %dma_start3A = tpu.memref_slice %arg2[%mul3A_36] : memref<393216xf32, #tpu.memory_space<hbm>> -> memref<8192xf32, #tpu.memory_space<hbm>>
      %dma_start3A_83 = tpu.memref_slice %arg2[%mul3A_36] : memref<393216xf32, #tpu.memory_space<hbm>> -> memref<8192xf32, #tpu.memory_space<hbm>>
      tpu.enqueue_dma source(%dma_start3A_83 : memref<8192xf32, #tpu.memory_space<hbm>>) target(%arg4 : memref<8192xf32, #tpu.memory_space<vmem>>) target_semaphore(%run_scoped3A : memref<!tpu.dma_semaphore, #tpu.memory_space<semaphore_mem>>)
      %dma_wait3A = tpu.memref_slice %arg2[%mul3A_36] : memref<393216xf32, #tpu.memory_space<hbm>> -> memref<8192xf32, #tpu.memory_space<hbm>>
      %dma_wait3A_84 = tpu.memref_slice %arg2[%mul3A_36] : memref<393216xf32, #tpu.memory_space<hbm>> -> memref<8192xf32, #tpu.memory_space<hbm>>
      tpu.wait_dma2 semaphore(%run_scoped3A : memref<!tpu.dma_semaphore, #tpu.memory_space<semaphore_mem>>) src(%dma_wait3A_84 : memref<8192xf32, #tpu.memory_space<hbm>>) dst(%arg4 : memref<8192xf32, #tpu.memory_space<vmem>>)
      tpu.yield
    }) : () -> ()
    %mul3A_37 = arith.constant 3 : i32
    %mul3A_38 = arith.muli %add3A, %mul3A_37 : i32
    %add3A_39 = arith.constant 1 : i32
    %add3A_40 = arith.addi %mul3A_38, %add3A_39 : i32
    %mul3A_41 = arith.constant 8192 : i32
    %mul3A_42 = arith.muli %add3A_40, %mul3A_41 : i32
    "tpu.region"() ({
      %run_scoped3A = tpu.sem_alloc : memref<!tpu.dma_semaphore, #tpu.memory_space<semaphore_mem>>
      %dma_start3A = tpu.memref_slice %arg2[%mul3A_42] : memref<393216xf32, #tpu.memory_space<hbm>> -> memref<8192xf32, #tpu.memory_space<hbm>>
      %dma_start3A_83 = tpu.memref_slice %arg2[%mul3A_42] : memref<393216xf32, #tpu.memory_space<hbm>> -> memref<8192xf32, #tpu.memory_space<hbm>>
      tpu.enqueue_dma source(%dma_start3A_83 : memref<8192xf32, #tpu.memory_space<hbm>>) target(%arg5 : memref<8192xf32, #tpu.memory_space<vmem>>) target_semaphore(%run_scoped3A : memref<!tpu.dma_semaphore, #tpu.memory_space<semaphore_mem>>)
      %dma_wait3A = tpu.memref_slice %arg2[%mul3A_42] : memref<393216xf32, #tpu.memory_space<hbm>> -> memref<8192xf32, #tpu.memory_space<hbm>>
      %dma_wait3A_84 = tpu.memref_slice %arg2[%mul3A_42] : memref<393216xf32, #tpu.memory_space<hbm>> -> memref<8192xf32, #tpu.memory_space<hbm>>
      tpu.wait_dma2 semaphore(%run_scoped3A : memref<!tpu.dma_semaphore, #tpu.memory_space<semaphore_mem>>) src(%dma_wait3A_84 : memref<8192xf32, #tpu.memory_space<hbm>>) dst(%arg5 : memref<8192xf32, #tpu.memory_space<vmem>>)
      tpu.yield
    }) : () -> ()
    %mul3A_43 = arith.constant 3 : i32
    %mul3A_44 = arith.muli %add3A, %mul3A_43 : i32
    %add3A_45 = arith.constant 2 : i32
    %add3A_46 = arith.addi %mul3A_44, %add3A_45 : i32
    %mul3A_47 = arith.constant 8192 : i32
    %mul3A_48 = arith.muli %add3A_46, %mul3A_47 : i32
    "tpu.region"() ({
      %run_scoped3A = tpu.sem_alloc : memref<!tpu.dma_semaphore, #tpu.memory_space<semaphore_mem>>
      %dma_start3A = tpu.memref_slice %arg2[%mul3A_48] : memref<393216xf32, #tpu.memory_space<hbm>> -> memref<8192xf32, #tpu.memory_space<hbm>>
      %dma_start3A_83 = tpu.memref_slice %arg2[%mul3A_48] : memref<393216xf32, #tpu.memory_space<hbm>> -> memref<8192xf32, #tpu.memory_space<hbm>>
      tpu.enqueue_dma source(%dma_start3A_83 : memref<8192xf32, #tpu.memory_space<hbm>>) target(%arg6 : memref<8192xf32, #tpu.memory_space<vmem>>) target_semaphore(%run_scoped3A : memref<!tpu.dma_semaphore, #tpu.memory_space<semaphore_mem>>)
      %dma_wait3A = tpu.memref_slice %arg2[%mul3A_48] : memref<393216xf32, #tpu.memory_space<hbm>> -> memref<8192xf32, #tpu.memory_space<hbm>>
      %dma_wait3A_84 = tpu.memref_slice %arg2[%mul3A_48] : memref<393216xf32, #tpu.memory_space<hbm>> -> memref<8192xf32, #tpu.memory_space<hbm>>
      tpu.wait_dma2 semaphore(%run_scoped3A : memref<!tpu.dma_semaphore, #tpu.memory_space<semaphore_mem>>) src(%dma_wait3A_84 : memref<8192xf32, #tpu.memory_space<hbm>>) dst(%arg6 : memref<8192xf32, #tpu.memory_space<vmem>>)
      tpu.yield
    }) : () -> ()
    %scan3A = arith.constant 0 : i32
    %scan3A_49 = arith.constant 0 : i32
    %scan3A_50 = arith.constant 256 : i32
    %scan3A_51 = arith.addi %scan3A_49, %scan3A_50 : i32
    %scan3A_52 = arith.constant 1 : i32
    scf.for %scan3A_83 = %scan3A_49 to %scan3A_51 step %scan3A_52  : i32 {
      %broadcast_in_dim3A_84 = arith.constant 1.000000e+10 : f32
      %broadcast_in_dim3A_85 = vector.broadcast %broadcast_in_dim3A_84 : f32 to vector<16xf32>
      %mul3A_86 = arith.constant 16 : i32
      %mul3A_87 = arith.muli %scan3A_83, %mul3A_86 : i32
      %swap3A_88 = arith.index_cast %mul3A_87 : i32 to index
      %swap3A_89 = tpu.vector_load %arg7[%swap3A_88] {strides = array<i32>} : memref<4096xf32, #tpu.memory_space<vmem>>, vector<16xf32>,
      tpu.vector_store %arg7[%swap3A_88], %broadcast_in_dim3A_85 {strides = array<i32>} : memref<4096xf32, #tpu.memory_space<vmem>>, vector<16xf32>,
    }
    %scan3A_53 = arith.constant 256 : i32
    %swap3A = arith.constant 0 : i32
    %swap3A_54 = arith.constant 0 : i32
    %swap3A_55 = arith.index_cast %swap3A_54 : i32 to index
    %swap3A_56 = memref.load %arg9[%swap3A_55] : memref<4xi32, #tpu.memory_space<smem>>
    memref.store %swap3A, %arg9[%swap3A_55] : memref<4xi32, #tpu.memory_space<smem>>
    %swap3A_57 = arith.constant 0 : i32
    %swap3A_58 = arith.constant 1 : i32
    %swap3A_59 = arith.index_cast %swap3A_58 : i32 to index
    %swap3A_60 = memref.load %arg9[%swap3A_59] : memref<4xi32, #tpu.memory_space<smem>>
    memref.store %swap3A_57, %arg9[%swap3A_59] : memref<4xi32, #tpu.memory_space<smem>>
    %swap3A_61 = arith.constant 0 : i32
    %swap3A_62 = arith.constant 2 : i32
    %swap3A_63 = arith.index_cast %swap3A_62 : i32 to index
    %swap3A_64 = memref.load %arg9[%swap3A_63] : memref<4xi32, #tpu.memory_space<smem>>
    memref.store %swap3A_61, %arg9[%swap3A_63] : memref<4xi32, #tpu.memory_space<smem>>
    %swap3A_65 = arith.constant 0 : i32
    %swap3A_66 = arith.constant 3 : i32
    %swap3A_67 = arith.index_cast %swap3A_66 : i32 to index
    %swap3A_68 = memref.load %arg9[%swap3A_67] : memref<4xi32, #tpu.memory_space<smem>>
    memref.store %swap3A_65, %arg9[%swap3A_67] : memref<4xi32, #tpu.memory_space<smem>>
    %barrier3A = arith.constant 0 : index
    tpu.barrier barrier_id(%barrier3A)
    %iota3A = tpu.iota {dimensions = array<i32: 0>} : vector<16xi32>
    %broadcast_in_dim3A = arith.constant 0 : i32
    %broadcast_in_dim3A_69 = vector.broadcast %broadcast_in_dim3A : i32 to vector<16xi32>
    %scan3A_70 = arith.constant 0 : i32
    %scan3A_71 = arith.constant 0 : i32
    %scan3A_72 = arith.constant 0 : i32
    %scan3A_73 = arith.constant 0 : i32
    %scan3A_74 = arith.constant 0 : i32
    %scan3A_75 = arith.constant 2048 : i32
    %scan3A_76 = arith.addi %scan3A_74, %scan3A_75 : i32
    %scan3A_77 = arith.constant 1 : i32
    %scan3A_78:5 = scf.for %scan3A_83 = %scan3A_74 to %scan3A_76 step %scan3A_77 iter_args(%scan3A_84 = %broadcast_in_dim3A_69, %scan3A_85 = %scan3A_70, %scan3A_86 = %scan3A_71, %scan3A_87 = %scan3A_72, %scan3A_88 = %scan3A_73) -> (vector<16xi32>, i32, i32, i32, i32)  : i32 {
      %gather3A = tpu.vector_load_idx %arg4[%scan3A_84] : memref<8192xf32, #tpu.memory_space<vmem>>[vector<16xi32>], vector<16xf32>,
      %gather3A_89 = tpu.vector_load_idx %arg5[%scan3A_84] : memref<8192xf32, #tpu.memory_space<vmem>>[vector<16xi32>], vector<16xf32>,
      %gather3A_90 = tpu.vector_load_idx %arg6[%scan3A_84] : memref<8192xf32, #tpu.memory_space<vmem>>[vector<16xi32>], vector<16xf32>,
      %broadcast_in_dim3A_91 = vector.broadcast %scan3A_83 : i32 to vector<16xi32>
      %eq3A_92 = arith.constant 0 : i32
      %eq3A_93 = vector.broadcast %eq3A_92 : i32 to vector<16xi32>
      %eq3A_94 = arith.cmpi eq, %iota3A, %eq3A_93 : vector<16xi32>
      tpu.vector_store_idx %arg8[%broadcast_in_dim3A_91], %scan3A_84 masked %eq3A_94 : memref<2048xi32, #tpu.memory_space<vmem>>[vector<16xi32>], vector<16xi32>, vector<16xi1>
      %broadcast_in_dim3A_95 = arith.constant -1.000000e+00 : f32
      %broadcast_in_dim3A_96 = vector.broadcast %broadcast_in_dim3A_95 : f32 to vector<16xf32>
      %broadcast_in_dim3A_97 = arith.constant 0 : i32
      %broadcast_in_dim3A_98 = vector.broadcast %broadcast_in_dim3A_97 : i32 to vector<16xi32>
      %parallel_loop3A = arith.constant 0 : i32
      %parallel_loop3A_99 = arith.constant 256 : i32
      %parallel_loop3A_100 = arith.constant 1 : i32
      %parallel_loop3A_101:2 = scf.for %parallel_loop3A_172 = %parallel_loop3A to %parallel_loop3A_99 step %parallel_loop3A_100 iter_args(%parallel_loop3A_173 = %broadcast_in_dim3A_96, %parallel_loop3A_174 = %broadcast_in_dim3A_98) -> (vector<16xf32>, vector<16xi32>)  : i32 {
        %parallel_loop3A_175 = arith.constant 16 : i32
        %parallel_loop3A_176 = arith.muli %parallel_loop3A_172, %parallel_loop3A_175 : i32
        %parallel_loop3A_177 = arith.addi %mul3A_32, %parallel_loop3A_176 : i32
        %parallel_loop3A_178 = arith.index_cast %parallel_loop3A_177 : i32 to index
        %parallel_loop3A_179 = tpu.vector_load %arg4[%parallel_loop3A_178] {strides = array<i32>} : memref<8192xf32, #tpu.memory_space<vmem>>, vector<16xf32>,
        %parallel_loop3A_180 = arith.subf %parallel_loop3A_179, %gather3A : vector<16xf32>
        %parallel_loop3A_181 = arith.index_cast %parallel_loop3A_177 : i32 to index
        %parallel_loop3A_182 = tpu.vector_load %arg5[%parallel_loop3A_181] {strides = array<i32>} : memref<8192xf32, #tpu.memory_space<vmem>>, vector<16xf32>,
        %parallel_loop3A_183 = arith.subf %parallel_loop3A_182, %gather3A_89 : vector<16xf32>
        %parallel_loop3A_184 = arith.index_cast %parallel_loop3A_177 : i32 to index
        %parallel_loop3A_185 = tpu.vector_load %arg6[%parallel_loop3A_184] {strides = array<i32>} : memref<8192xf32, #tpu.memory_space<vmem>>, vector<16xf32>,
        %parallel_loop3A_186 = arith.subf %parallel_loop3A_185, %gather3A_90 : vector<16xf32>
        %parallel_loop3A_187 = arith.mulf %parallel_loop3A_180, %parallel_loop3A_180 : vector<16xf32>
        %parallel_loop3A_188 = arith.mulf %parallel_loop3A_186, %parallel_loop3A_186 : vector<16xf32>
        %parallel_loop3A_189 = arith.addf %parallel_loop3A_187, %parallel_loop3A_188 : vector<16xf32>
        %parallel_loop3A_190 = arith.mulf %parallel_loop3A_183, %parallel_loop3A_183 : vector<16xf32>
        %parallel_loop3A_191 = arith.addf %parallel_loop3A_189, %parallel_loop3A_190 : vector<16xf32>
        %parallel_loop3A_192 = arith.constant 16 : i32
        %parallel_loop3A_193 = arith.muli %parallel_loop3A_172, %parallel_loop3A_192 : i32
        %parallel_loop3A_194 = arith.index_cast %parallel_loop3A_193 : i32 to index
        %parallel_loop3A_195 = tpu.vector_load %arg7[%parallel_loop3A_194] {strides = array<i32>} : memref<4096xf32, #tpu.memory_space<vmem>>, vector<16xf32>,
        %parallel_loop3A_196 = arith.minimumf %parallel_loop3A_195, %parallel_loop3A_191 : vector<16xf32>
        %parallel_loop3A_197 = arith.constant 16 : i32
        %parallel_loop3A_198 = arith.muli %parallel_loop3A_172, %parallel_loop3A_197 : i32
        %parallel_loop3A_199 = arith.index_cast %parallel_loop3A_198 : i32 to index
        %parallel_loop3A_200 = tpu.vector_load %arg7[%parallel_loop3A_199] {strides = array<i32>} : memref<4096xf32, #tpu.memory_space<vmem>>, vector<16xf32>,
        tpu.vector_store %arg7[%parallel_loop3A_199], %parallel_loop3A_196 {strides = array<i32>} : memref<4096xf32, #tpu.memory_space<vmem>>, vector<16xf32>,
        %parallel_loop3A_201 = arith.cmpf ogt, %parallel_loop3A_196, %parallel_loop3A_173 : vector<16xf32>
        %parallel_loop3A_202 = arith.select %parallel_loop3A_201, %parallel_loop3A_196, %parallel_loop3A_173 : vector<16xi1>, vector<16xf32>
        %parallel_loop3A_203 = vector.broadcast %parallel_loop3A_172 : i32 to vector<16xi32>
        %parallel_loop3A_204 = arith.select %parallel_loop3A_201, %parallel_loop3A_203, %parallel_loop3A_174 : vector<16xi1>, vector<16xi32>
        scf.yield %parallel_loop3A_202, %parallel_loop3A_204 : vector<16xf32>, vector<16xi32>
      } {sc.loop_unroll_factor = 16 : i64, sc.parallel_access}
      %reduce_max3A = arith.constant true
      %reduce_max3A_102 = vector.broadcast %reduce_max3A : i1 to vector<16xi1>
      %reduce_max3A_103 = tpu.scan <max>, %parallel_loop3A_101#0 masked %reduce_max3A_102 : vector<16xf32>, vector<16xi1> -> vector<16xf32>
      %reduce_max3A_104 = vector.extract %reduce_max3A_103[15] : f32 from vector<16xf32>
      %mul3A_105 = arith.constant 16 : i32
      %mul3A_106 = vector.broadcast %mul3A_105 : i32 to vector<16xi32>
      %mul3A_107 = arith.muli %parallel_loop3A_101#1, %mul3A_106 : vector<16xi32>
      %add3A_108 = vector.broadcast %mul3A_32 : i32 to vector<16xi32>
      %add3A_109 = arith.addi %add3A_108, %mul3A_107 : vector<16xi32>
      %add3A_110 = arith.addi %add3A_109, %iota3A : vector<16xi32>
      %eq3A_111 = vector.broadcast %reduce_max3A_104 : f32 to vector<16xf32>
      %eq3A_112 = arith.cmpf oeq, %parallel_loop3A_101#0, %eq3A_111 : vector<16xf32>
      %jit3A_113 = arith.constant 1073741824 : i32
      %broadcast_in_dim3A_114 = vector.broadcast %jit3A_113 : i32 to vector<16xi32>
      %select_n3A_115 = arith.select %eq3A_112, %add3A_110, %broadcast_in_dim3A_114 : vector<16xi1>, vector<16xi32>
      %reduce_min3A = arith.constant true
      %reduce_min3A_116 = vector.broadcast %reduce_min3A : i1 to vector<16xi1>
      %reduce_min3A_117 = arith.constant -2147483648 : i32
      %reduce_min3A_118 = vector.broadcast %reduce_min3A_117 : i32 to vector<16xi32>
      %reduce_min3A_119 = arith.xori %select_n3A_115, %reduce_min3A_118 : vector<16xi32>
      %reduce_min3A_120 = tpu.scan <min>, %reduce_min3A_119 masked %reduce_min3A_116 : vector<16xi32>, vector<16xi1> -> vector<16xi32>
      %reduce_min3A_121 = arith.xori %reduce_min3A_120, %reduce_min3A_118 : vector<16xi32>
      %reduce_min3A_122 = vector.extract %reduce_min3A_121[15] : i32 from vector<16xi32>
      %bitcast_convert_type3A = arith.bitcast %reduce_max3A_104 : f32 to i32
      %add3A_123 = arith.constant 1 : i32
      %add3A_124 = arith.addi %scan3A_83, %add3A_123 : i32
      %shift_left3A = arith.constant 13 : i32
      %shift_left3A_125 = arith.shli %add3A_124, %shift_left3A : i32
      %or3A = arith.ori %shift_left3A_125, %reduce_min3A_122 : i32
      %jit3A_126 = arith.constant 2 : i32
      %eq3A_127 = arith.constant 0 : i32
      %eq3A_128 = arith.cmpi eq, %jit3A_126, %eq3A_127 : i32
      %jit3A_129 = arith.constant 1 : i32
      %select_n3A_130 = arith.select %eq3A_128, %jit3A_129, %jit3A_126 : i32
      %rem3A_131 = arith.remsi %scan3A_83, %select_n3A_130 : i32
      %ne3A_132 = arith.constant 0 : i32
      %ne3A_133 = arith.cmpi ne, %rem3A_131, %ne3A_132 : i32
      %lt3A_134 = arith.constant 0 : i32
      %lt3A_135 = arith.cmpi slt, %rem3A_131, %lt3A_134 : i32
      %lt3A_136 = arith.constant 0 : i32
      %lt3A_137 = arith.cmpi slt, %select_n3A_130, %lt3A_136 : i32
      %ne3A_138 = arith.xori %lt3A_135, %lt3A_137 : i1
      %and3A_139 = arith.andi %ne3A_138, %ne3A_133 : i1
      %add3A_140 = arith.addi %rem3A_131, %select_n3A_130 : i32
      %select_n3A_141 = arith.select %and3A_139, %add3A_140, %rem3A_131 : i32
      %eq3A_142 = arith.constant 0 : i32
      %eq3A_143 = arith.cmpi eq, %select_n3A_141, %eq3A_142 : i32
      %jit3A_144 = arith.constant 0 : i32
      %jit3A_145 = arith.constant 2 : i32
      %select_n3A_146 = arith.select %eq3A_143, %jit3A_144, %jit3A_145 : i32
      %xor3A = arith.constant 1 : i32
      %xor3A_147 = arith.xori %arg1, %xor3A : i32
      %select_n3A_148 = arith.select %eq3A_143, %scan3A_85, %scan3A_87 : i32
      %select_n3A_149 = arith.select %eq3A_143, %scan3A_86, %scan3A_88 : i32
      %sub3A_150 = arith.subi %bitcast_convert_type3A, %select_n3A_148 : i32
      %sc_fetch_and_add3A = tpu.fetch_and_add_sync %arg9[%select_n3A_146], %sub3A_150, %xor3A_147 : memref<4xi32, #tpu.memory_space<smem>>, i32 -> i32
      %add3A_151 = arith.constant 1 : i32
      %add3A_152 = arith.addi %select_n3A_146, %add3A_151 : i32
      %sub3A_153 = arith.subi %or3A, %select_n3A_149 : i32
      %sc_fetch_and_add3A_154 = tpu.fetch_and_add_sync %arg9[%add3A_152], %sub3A_153, %xor3A_147 : memref<4xi32, #tpu.memory_space<smem>>, i32 -> i32
      %while3A = arith.constant 0 : i32
      %while3A_155 = scf.while (%while3A_172 = %while3A) : (i32) -> i32 {
        %shift_right_arithmetic3A = arith.constant 13 : i32
        %shift_right_arithmetic3A_173 = arith.shrsi %while3A_172, %shift_right_arithmetic3A : i32
        %add3A_174 = arith.constant 1 : i32
        %add3A_175 = arith.addi %scan3A_83, %add3A_174 : i32
        %ne3A_176 = arith.cmpi ne, %shift_right_arithmetic3A_173, %add3A_175 : i32
        scf.condition(%ne3A_176) %while3A_172 : i32
      } do {
      ^bb0(%while3A_172: i32):
        %add3A_173 = arith.constant 1 : i32
        %add3A_174 = arith.addi %select_n3A_146, %add3A_173 : i32
        %sc_fetch_and_add3A_175 = arith.constant 0 : i32
        %sc_fetch_and_add3A_176 = tpu.fetch_and_add_sync %arg9[%add3A_174], %sc_fetch_and_add3A_175, %arg1 : memref<4xi32, #tpu.memory_space<smem>>, i32 -> i32
        scf.yield %sc_fetch_and_add3A_176 : i32
      }
      %and3A_156 = arith.constant 8191 : i32
      %and3A_157 = arith.andi %while3A_155, %and3A_156 : i32
      %sc_fetch_and_add3A_158 = arith.constant 0 : i32
      %sc_fetch_and_add3A_159 = tpu.fetch_and_add_sync %arg9[%select_n3A_146], %sc_fetch_and_add3A_158, %arg1 : memref<4xi32, #tpu.memory_space<smem>>, i32 -> i32
      %gt3A = arith.cmpi sgt, %sc_fetch_and_add3A_159, %bitcast_convert_type3A : i32
      %eq3A_160 = arith.cmpi eq, %sc_fetch_and_add3A_159, %bitcast_convert_type3A : i32
      %lt3A_161 = arith.cmpi slt, %and3A_157, %reduce_min3A_122 : i32
      %and3A_162 = arith.andi %eq3A_160, %lt3A_161 : i1
      %or3A_163 = arith.ori %gt3A, %and3A_162 : i1
      %jit3A_164 = arith.constant 0 : i32
      %jit3A_165 = arith.constant 8191 : i32
      %max3A = arith.maxsi %jit3A_164, %and3A_157 : i32
      %min3A = arith.minsi %jit3A_165, %max3A : i32
      %select_n3A_166 = arith.select %or3A_163, %min3A, %reduce_min3A_122 : i32
      %broadcast_in_dim3A_167 = vector.broadcast %select_n3A_166 : i32 to vector<16xi32>
      %select_n3A_168 = arith.select %eq3A_143, %bitcast_convert_type3A, %scan3A_85 : i32
      %select_n3A_169 = arith.select %eq3A_143, %or3A, %scan3A_86 : i32
      %select_n3A_170 = arith.select %eq3A_143, %scan3A_87, %bitcast_convert_type3A : i32
      %select_n3A_171 = arith.select %eq3A_143, %scan3A_88, %or3A : i32
      scf.yield %broadcast_in_dim3A_167, %select_n3A_168, %select_n3A_169, %select_n3A_170, %select_n3A_171 : vector<16xi32>, i32, i32, i32, i32
    }
    %scan3A_79 = arith.constant 2048 : i32
    %eq3A_80 = arith.constant 0 : i32
    %eq3A_81 = arith.cmpi eq, %select_n3A_30, %eq3A_80 : i32
    %convert_element_type3A = arith.extui %eq3A_81 : i1 to i32
    %cond3A = arith.constant 0 : i32
    %cond3A_82 = arith.cmpi ne, %convert_element_type3A, %cond3A : i32
    scf.if %cond3A_82 {
      %mul3A_83 = arith.constant 2048 : i32
      %mul3A_84 = arith.muli %add3A, %mul3A_83 : i32
      "tpu.region"() ({
        %run_scoped3A = tpu.sem_alloc : memref<!tpu.dma_semaphore, #tpu.memory_space<semaphore_mem>>
        %dma_start3A = tpu.memref_slice %arg3[%mul3A_84] : memref<32768xi32, #tpu.memory_space<hbm>> -> memref<2048xi32, #tpu.memory_space<hbm>>
        %dma_start3A_85 = tpu.memref_slice %arg3[%mul3A_84] : memref<32768xi32, #tpu.memory_space<hbm>> -> memref<2048xi32, #tpu.memory_space<hbm>>
        tpu.enqueue_dma source(%arg8 : memref<2048xi32, #tpu.memory_space<vmem>>) target(%dma_start3A_85 : memref<2048xi32, #tpu.memory_space<hbm>>) target_semaphore(%run_scoped3A : memref<!tpu.dma_semaphore, #tpu.memory_space<semaphore_mem>>)
        %dma_wait3A = tpu.memref_slice %arg3[%mul3A_84] : memref<32768xi32, #tpu.memory_space<hbm>> -> memref<2048xi32, #tpu.memory_space<hbm>>
        %dma_wait3A_86 = tpu.memref_slice %arg3[%mul3A_84] : memref<32768xi32, #tpu.memory_space<hbm>> -> memref<2048xi32, #tpu.memory_space<hbm>>
        tpu.wait_dma2 semaphore(%run_scoped3A : memref<!tpu.dma_semaphore, #tpu.memory_space<semaphore_mem>>) src(%arg8 : memref<2048xi32, #tpu.memory_space<vmem>>) dst(%dma_wait3A_86 : memref<2048xi32, #tpu.memory_space<hbm>>)
        tpu.yield
      }) : () -> ()
    } else {
    }
    return
  }
}

</mosaic_0001>

<sc_bundles>
// kernel: _fps.3.cloned.1.call-start
scs
__scs_entry_jumppad:
0x0: {  	(pc) =	sbr.rel $0x88, $3  }
0x1: {  	(tag) =	ssettag $0x0;
	lr =	simm.s32 $0x1  }
0x2: {  	[smem:$0x3FA0] =	sst lr;
	_ =	strace $0xD0000000  }
0x3: {  	_ = 	snop  }
0x4: {  	_ = 	snop  }
0x5: {  	_ = 	snop  }
0x6: {  	_ = 	snop  }
0x7: {  	_ = 	snop  }
__scs_overlays_trampoline_lowered:
0x8: {  	[smem:$0x3FAF] =	sst s0  }
0x9: {  	[smem:$0x3FB0] =	sst s1  }
0xa: {  	[smem:$0x3FB1] =	sst s2  }
0xb: {  	[smem:$0x3FB2] =	sst s3  }
0xc: {  	[smem:$0x3FB3] =	sst s4  }
0xd: {  	[smem:$0x3FB4] =	sst s5  }
0xe: {  	[smem:$0x3FB5] =	sst s6  }
0xf: {  	[smem:$0x3FB6] =	sst s7  }
0x10: {  	[smem:$0x3FB7] =	sst s8  }
0x11: {  	[smem:$0x3FB8] =	sst s9;
	s0 =	simm.s32 @!p0 $0x0  }
0x12: {  	s1 =	sld [smem:$0x3F9E];
	s0 =	simm.s32 @p0 $0x1  }
0x13: {  	[smem:$0x3FB9] =	sst s0;
	s0 =	simm.s32 @!p1 $0x0  }
0x14: {  	s2 =	sld [smem:$0x3F9D];
	s0 =	simm.s32 @p1 $0x1  }
0x15: {  	[smem:$0x3FBA] =	sst s0;
	s0 =	simm.s32 @!p2 $0x0  }
0x16: {  	s3 =	sld [smem:$0x3FDB];
	s0 =	simm.s32 @p2 $0x1  }
0x17: {  	s4 =	simm.s32 $0x1BF5;
	[smem:$0x3FBC] =	sst s0  }
0x18: {  	s0 =	sld [smem:$0x3F9F];
	_ =	swait.ge [sflag:s4], $0x0  }
0x19: {  	s7 =	sld [smem:$0x3FA0]  }
0x1a: {  	s8 =	sadd.s32 $0xFFFFE003, lr  }
0x1b: {  	s9 =	sadd.s32 $0xFFFFFEF7, lr;
	s5 =	simm.s32 $0xFFFFFFFF;
	p2 =	slt.u32 s8, $0xFFFFF086  }
0x1c: {  	p1 =	slt.u32 s9, $0xF7A;
	s5 =	simm.s32 @!p2 $0x0  }
0x1d: {  	s5 =	simm.s32 @p1 $0x1;
	p0 =	seq.s32 s7, s2  }
0x1e: {  	s7 =	smul.u32 @!p0 $0xF7A, s2;
	p2 =	seq.s32 @!p0 s5, $0x0  }
0x1f: {  	s9 =	smul.u32 $0xF7A, s1;
	s8 =	simm.s32 @!p0 $0x1BF5;
	p2 =	por !p2, p0  }
0x20: {  	[sflag:s8] =	ssyncset.s32 @!p0 $0xFFFFF086;
	s6 =	sadd.s32 @!p0 s3, s7;
	s7 =	simm.s32 @!p0 $0x108  }
0x21: {  	s3 =	sadd.s32 s3, s9;
	s6 =	sadd.s32 @!p0 $0x88, s6;
	s7 =	simm.s32 @p2 $0x1082  }
0x22: {  	[simem:s7], [sflag:s8] =	dma.local @!p0 [hbm:s6], $0xF7A  }
0x23: {  	s9 =	sor.u32 $0xD0000000, s2;
	s6 =	simm.s32 $0x108;
	_ =	swait.ge @!p0 [sflag:s8], $0x0  }
0x24: {  	s3 =	sadd.s32 $0x88, s3;
	s6 =	simm.s32 @!p1 $0x1082;
	[sflag:s4] =	ssyncset.s32 $0xFFFFF086  }
0x25: {  	[simem:s6], [sflag:s4] =	dma.local [hbm:s3], $0xF7A  }
0x26: {  	[smem:$0x3FA0] =	sst s1;
	(tag) =	ssettag s2;
	_ =	strace s9  }
0x27: {  	s1 =	sld [smem:$0x3FB0]  }
0x28: {  	s2 =	sld [smem:$0x3FB1]  }
0x29: {  	s4 =	sld [smem:$0x3FB3]  }
0x2a: {  	p0 =	seq.s32 s5, $0x0;
	s5 =	sld [smem:$0x3FB4]  }
0x2b: {  	s6 =	sld [smem:$0x3FB5]  }
0x2c: {  	s7 =	sld [smem:$0x3FB6]  }
0x2d: {  	s3 =	simm.s32 $0x108;
	s8 =	sld [smem:$0x3FB7]  }
0x2e: {  	s3 =	simm.s32 @!p0 $0x1082;
	s9 =	sld [smem:$0x3FB8]  }
0x2f: {  	lr =	sadd.s32 s0, s3;
	s0 =	sld [smem:$0x3FAF]  }
0x30: {  	s3 =	sld [smem:$0x3FB2]  }
0x31: {  	[smem:$0x3FBB] =	sst s10  }
0x32: {  	s10 =	sld [smem:$0x3FB9];
	_ =	sdelay $0x3  }
0x33: {  	p0 =	seq.s32 s10, $0x1;
	s10 =	sld [smem:$0x3FBB];
	_ =	sdelay $0x3  }
0x34: {  	[smem:$0x3FBB] =	sst s10  }
0x35: {  	s10 =	sld [smem:$0x3FBA];
	_ =	sdelay $0x3  }
0x36: {  	p1 =	seq.s32 s10, $0x1;
	s10 =	sld [smem:$0x3FBB];
	_ =	sdelay $0x3  }
0x37: {  	[smem:$0x3FBB] =	sst s10  }
0x38: {  	s10 =	sld [smem:$0x3FBC]  }
0x39: {  	_ = 	snop;
	(pc) =	sbr.ind lr, $3  }
0x3a: {  	_ = 	snop  }
0x3b: {  	_ = 	snop  }
0x3c: {  	p2 =	seq.s32 s10, $0x1;
	s10 =	sld [smem:$0x3FBB]  }
0x3d: {  	_ =	shalt  }
0x3e: {  	_ =	shalt  }
0x3f: {  	_ =	shalt  }
0x40: {  	_ =	shalt  }
0x41: {  	_ =	shalt  }
0x42: {  	_ =	shalt  }
0x43: {  	_ =	shalt  }
0x44: {  	_ =	shalt  }
0x45: {  	_ =	shalt  }
0x46: {  	_ =	shalt  }
0x47: {  	_ =	shalt  }
0x48: {  	_ =	shalt  }
0x49: {  	_ =	shalt  }
0x4a: {  	_ =	shalt  }
0x4b: {  	_ =	shalt  }
0x4c: {  	_ =	shalt  }
0x4d: {  	_ =	shalt  }
0x4e: {  	_ =	shalt  }
0x4f: {  	_ =	shalt  }
0x50: {  	_ =	shalt  }
0x51: {  	_ =	shalt  }
0x52: {  	_ =	shalt  }
0x53: {  	_ =	shalt  }
0x54: {  	_ =	shalt  }
0x55: {  	_ =	shalt  }
0x56: {  	_ =	shalt  }
0x57: {  	_ =	shalt  }
0x58: {  	_ =	shalt  }
0x59: {  	_ =	shalt  }
0x5a: {  	_ =	shalt  }
0x5b: {  	_ =	shalt  }
0x5c: {  	_ =	shalt  }
0x5d: {  	_ =	shalt  }
0x5e: {  	_ =	shalt  }
0x5f: {  	_ =	shalt  }
0x60: {  	_ =	shalt  }
0x61: {  	_ =	shalt  }
0x62: {  	_ =	shalt  }
0x63: {  	_ =	shalt  }
0x64: {  	_ =	shalt  }
0x65: {  	_ =	shalt  }
0x66: {  	_ =	shalt  }
0x67: {  	_ =	shalt  }
0x68: {  	_ =	shalt  }
0x69: {  	_ =	shalt  }
0x6a: {  	_ =	shalt  }
0x6b: {  	_ =	shalt  }
0x6c: {  	_ =	shalt  }
0x6d: {  	_ =	shalt  }
0x6e: {  	_ =	shalt  }
0x6f: {  	_ =	shalt  }
0x70: {  	_ =	shalt  }
0x71: {  	_ =	shalt  }
0x72: {  	_ =	shalt  }
0x73: {  	_ =	shalt  }
0x74: {  	_ =	shalt  }
0x75: {  	_ =	shalt  }
0x76: {  	_ =	shalt  }
0x77: {  	_ =	shalt  }
0x78: {  	_ =	shalt  }
0x79: {  	_ =	shalt  }
0x7a: {  	_ =	shalt  }
0x7b: {  	_ =	shalt  }
0x7c: {  	_ =	shalt  }
0x7d: {  	_ =	shalt  }
0x7e: {  	_ =	shalt  }
0x7f: {  	_ =	shalt  }
0x80: {  	_ =	shalt  }
0x81: {  	_ =	shalt  }
0x82: {  	_ =	shalt  }
0x83: {  	_ =	shalt  }
0x84: {  	_ =	shalt  }
0x85: {  	_ =	shalt  }
0x86: {  	_ =	shalt  }
0x87: {  	_ =	shalt  }
.Lfunc_end0:
.L_simem_size_0:
called_computation_lowered:
.L_overlay_start_0:
0x88: {  	s2 =	sld [smem:$0x3FD9]  }
0x89: {  	s3 =	sld [smem:$0x3FFE];
	_ =	sdelay $0x1  }
0x8a: {  	s1 =	srdreg.scid  }
0x8b: {  	s0 =	sand.u32 $0x1, s1  }
0x8c: {  	s16 =	sshll.u32 s0, $0xA;
	s2 =	sadd.s32 s3, s2  }
0x8d: {  	s2 =	sadd.s32 s2, s16  }
0x8e: {  	[smem:$0x3FC7] =	sst s2  }
0x8f: {  	_ = 	snop  }
0x90: {  	(tm) =	ssettm $0x1  }
0x91: {  	s17 =	sld [smem:$0x3FFB];
	_ =	sdelay $0x3  }
0x92: {  	_ =	strace s17  }
0x93: {  	s2 =	sld [smem:$0x3FFC];
	_ =	sdelay $0x3  }
0x94: {  	_ =	strace s2  }
0x95: {  	s2 =	sld [smem:$0x3FFD];
	_ =	sdelay $0x3  }
0x96: {  	_ =	strace s2  }
0x97: {  	_ =	strace $0x8FFFFFFF  }
0x98: {  	s18 =	sld [smem:$0x3FDB];
	_ =	sdelay $0x1  }
0x99: {  	s19 =	simm.s32 $_scs_section_size  }
0x9a: {  	s4 =	simm.s32 $_size__tile_overlayer_lowered;
	s5 =	simm.s32 $_tile_overlayer_lowered  }
0x9b: {  	s22 =	simm.s32 $0x1BFF;
	s21 =	sshll.u32 s5, $0x1;
	s2 =	sadd.s32 s19, s18  }
0x9c: {  	s6 =	simm.s32 $0x0;
	s20 =	sshll.u32 s4, $0x1;
	s4 =	sadd.s32 s21, s2  }
0x9d: {  	[timem:s6], [sflag:s22] =	dma.local [hbm:s4], s20  }
0x9e: {  	_ =	swait.ge [sflag:s22], s20  }
0x9f: {  	s3 =	ssub.s32 $0x0, s20;
	[sflag:s22] =	ssyncset.done $0x0  }
0xa0: {  	[sflag:s22] =	ssyncadd.s32 s3;
	_ =	sdelay $0x1  }
0xa1: {  	s23 =	simm.s32 $0x1B8B  }
0xa2: {  	_ =	swait.ge [sflag:s23], $0x1  }
0xa3: {  	[sflag:s23] =	ssyncset.done $0x0  }
0xa4: {  	s25 =	simm.s32 $0x1B8E;
	s24 =	sld [smem:$0x3FFE];
	[sflag:s23] =	ssyncadd.s32 $0xFFFFFFFF  }
0xa5: {  	s26 =	simm.s32 $execute0_lowered;
	[smem:$0x3FD2] =	sst s25  }
0xa6: {  	s4 =	sshll.u32 s26, $0x1;
	_ =	strace $0x80000046;
	[dreg:$0x1] =	wrdreg $0xFFFFFFFF  }
0xa7: {  	s28 =	simm.s32 $_size_execute0_lowered;
	s2 =	sadd.s32 s2, s4;
	[dreg:$0x0] =	wrdreg $0x0  }
0xa8: {  	s4 =	sshll.u32 s28, $0x1;
	[dreg:$0x2] =	wrdreg s2  }
0xa9: {  	[dreg:$0x3] =	wrdreg s4  }
0xaa: {  	[dreg:$0x4] =	wrdreg $0xC0  }
0xab: {  	_ =	task [dreg:s6], $0x5FFFF  }
0xac: {  	[dreg:$0x1] =	wrdreg $0xFFFFFFFF  }
0xad: {  	[dreg:$0x0] =	wrdreg $0x60  }
0xae: {  	[dreg:$0x2] =	wrdreg s24  }
0xaf: {  	[dreg:$0x3] =	wrdreg $0x9  }
0xb0: {  	_ =	task.clear_ibuf [dreg:s6], $0x4FFFF;
	_ =	strace $0x90000046  }
0xb1: {  	s29 =	simm.s32 $0x9;
	_ =	strace $0x80000048  }
0xb2: {  	_ =	swait.ge [sflag:s29], $0x1  }
0xb3: {  	[sflag:s29] =	ssyncadd.s32 $0xFFFFFFFF  }
0xb4: {  	_ =	strace $0x90000048  }
0xb5: {  	_ =	sfence  }
0xb6: {  	s30 =	sld [smem:$0x0];
	_ =	sdelay $0x2  }
0xb7: {  	s31 =	sshll.u32 s1, $0xD;
	s1 =	sshrl.u32 s1, $0x2  }
0xb8: {  	s3 =	sand.u32 $0x4000, s31;
	s1 =	sadd.s32 s1, s30  }
0xb9: {  	s0 =	sor.u32 s3, s0;
	s1 =	sshll.u32 s1, $0x11  }
0xba: {  	s0 =	sor.u32 s1, s0  }
0xbb: {  	s0 =	sadd.s32 $0x8F2B, s0  }
0xbc: {  	[sflag:s0] =	ssyncadd.remote.s32 $0x1  }
0xbd: {  	_ =	sfence.sel $0xFFFF  }
0xbe: {  	[dreg:$0x0] =	wrdreg $0xFFFFFFFF;
	(pc) =	sbr.abs _section_cstart, $3  }
0xbf: {  	[dreg:$0x1] =	wrdreg $0xFFFFFFFF  }
0xc0: {  	_ =	task.clear_ibuf [dreg:s6], $0x2FFFF;
	_ =	strace $0x9FFFFFFF  }
0xc1: {  	(tm) =	ssettm $0x7FFFFFFF  }
tec
execute0_lowered:
.L_overlay_start_1:
0x0: {  	(tag) =	ssettag $0x1  }
0x1: {  	s0 =	rddreg [dreg:$0x0];
	s3 =	srdreg.scid  }
0x2: {  	s2 =	simm.s32 $0x0;
	s1 =	stileid.u32;
	s11 =	simm.s32 $0x1  }
0x3: {  	s12 =	simm.s32 $0x2000;
	s13 =	simm.s32 $0x4000;
	s14 =	simm.s32 $0x7000  }
0x4: {  	s16 =	simm.s32 $0x2;
	s17 =	simm.s32 $0x3;
	s18 =	simm.s32 $0x4  }
0x5: {  	s19 =	simm.s32 $0x0;
	s20 =	simm.s32 $0x0;
	s3 =	sand.u32 $0x1, s3  }
0x6: {  	[smem:$0x7FF] =	sst s2;
	s5 =	sshrl.u32 s1, $0x1;
	s6 =	sadd.s32 $0x400, s0  }
0x7: {  	s8 =	sand.u32 $0x1, s1;
	s30 =	sxor.u32 $0x1, s1;
	s4 =	sshll.u32 s3, $0x3  }
0x8: {  	_ =	strace $0x80000047;
	s3 =	ssub.s32 $0x2, s3;
	s4 =	sor.u32 s5, s4  }
0x9: {  	s24 =	sshll.u32 s8, $0xC;
	s22 =	sshrl.u32 s3, $0x1;
	s7 =	smul.u32 $0x6000, s4  }
0xa: {  	s5 =	sshll.u32 s4, $0x8;
	s4 =	smul.u32 $0xC00, s4;
	s3 =	ssub.s32 s3, s22  }
0xb: {  	s15 =	sshll.u32 s30, $0x10;
	s0 =	sadd.s32 s5, s0;
	s31 =	smax.u32 s3, $0x1  }
0xc: {  	s23 =	sshrl.u32 s7, $0x3;
	s25 =	sadd.s32 s6, s4;
	[dreg:$0x6] =	wrdreg s31  }
0xd: {  	s0 =	sadd.s32 $0xC400, s0;
	[dreg:$0x2] =	wrdreg s25;
	s26 =	sadd.s32 s6, s23  }
0xe: {  	p0 =	sne.s32 s8, $0x0;
	[dreg:$0x5] =	wrdreg s0;
	s28 =	sadd.s32 $0x400, s26  }
0xf: {  	v2 =	vlaneseq.u32;
	v1 =	vimm.f32 $1.000000000e+10;
	s9 =	sor.u32 $0x2080, s24;
	s29 =	sadd.s32 $0x800, s26;
	[dreg:$0x3] =	wrdreg s28  }
0x10: {  	v3 =	vimm.s32 $0x0;
	v2 =	vor.u32 $0x80000000, v2;
	v0 =	vmov s24;
	s5 =	sor.u32 $0x80, s24;
	s6 =	sor.u32 $0x4080, s24;
	[dreg:$0x4] =	wrdreg s29  }
.LBB2_1:
0x11: {  	s0 =	simm.s32 $0x0;
	s2 =	rddreg [dreg:$0x2]  }
0x12: {  	[tilespmem:s0], [sflag:$0x1] =	stream.linear.gather [hbm4b:s2+s0], $0x2000, $0x38;
	[tilespmem:$0x7800] =	vst v63  }
0x13: {  	_ =	swait.ge [sflag:s11], $0x2000  }
0x14: {  	[sflag:s11] =	ssyncset.done $0x0  }
0x15: {  	s30 =	rddreg [dreg:$0x3];
	[sflag:s11] =	ssyncadd.s32 $0xFFFFE000  }
0x16: {  	[tilespmem:s12], [sflag:$0x1] =	stream.linear.gather [hbm4b:s30+s0], $0x2000, $0x38;
	[tilespmem:$0x7800] =	vst v63  }
0x17: {  	_ =	swait.ge [sflag:s11], $0x2000  }
0x18: {  	[sflag:s11] =	ssyncset.done $0x0  }
0x19: {  	s31 =	rddreg [dreg:$0x4];
	[sflag:s11] =	ssyncadd.s32 $0xFFFFE000  }
0x1a: {  	[tilespmem:s13], [sflag:$0x1] =	stream.linear.gather [hbm4b:s31+s0], $0x2000, $0x38;
	[tilespmem:$0x7800] =	vst v63  }
0x1b: {  	_ =	swait.ge [sflag:s11], $0x2000  }
0x1c: {  	[sflag:s11] =	ssyncset.done $0x0  }
0x1d: {  	s3 =	simm.s32 $0x0;
	s0 =	simm.s32 $0x40;
	[sflag:s11] =	ssyncadd.s32 $0xFFFFE000  }
.LBB2_2:
0x1e: {  	p1 =	sne.s32 s0, $0x3FC0;
	[tilespmem:s3+$0x6000] =	vst v1;
	s3 =	smov.u32 s0;
	s0 =	sadd.s32 $0x40, s0  }
.Ltmp0:
0x1f: {  	(pc) =	sbr.rel @p1 .LBB2_2-.Ltmp0, $2  }
0x20: {  	_ =	sdelay $0x2  }
0x21: {  	s3 =	sshra.s32 s3, $0x2  }
0x22: {  	[smem:$0x0] =	sst s20  }
0x23: {  	[smem:$0x1] =	sst s20  }
0x24: {  	s22 =	simm.s32 $0x0;
	[smem:$0x2] =	sst s20  }
0x25: {  	[tilespmem:s3+$0x6000] =	vst v1;
	s24 =	simm.s32 $0x0;
	s21 =	simm.s32 $0x0;
	[smem:$0x3] =	sst s20  }
0x26: {  	s23 =	simm.s32 $0x0;
	v7 =	vimm.s32 $0x0;
	s25 =	simm.s32 $0x0;
	[bflag:$0x0] =	sbarrier.arrive $0xFFFF  }
.LBB2_4:
0x27: {  	_ = 	snop  }
0x28: {  	v8 =	vmov s25;
	_ =	sdelay $0x2  }
0x29: {  	v5 =	vld.idx.msk [tilespmem:v7+s20+$0x0], $0xffff  }
0x2a: {  	v4 =	vld.idx.msk [tilespmem:v7+s12+$0x0], $0xffff  }
0x2b: {  	v6 =	vld.idx.msk [tilespmem:v7+s13+$0x0], $0xffff;
	[tilespmem:v8+s14+$0x0] =	vst.idx.msk $0x1, v7  }
0x2c: {  	v7 =	vld [tilespmem:s9+$0xFFFFFFF0]  }
0x2d: {  	v8 =	vld [tilespmem:s6+$0x50]  }
0x2e: {  	v9 =	vld [tilespmem:s6+$0x0]  }
0x2f: {  	v10 =	vld [tilespmem:s6+$0xFFFFFFF0]  }
0x30: {  	v11 =	vld [tilespmem:s5+$0xFFFFFFF0]  }
0x31: {  	v12 =	vld [tilespmem:s6+$0xFFFFFFD0]  }
0x32: {  	v13 =	vld [tilespmem:s9+$0xFFFFFFC0]  }
0x33: {  	v14 =	vld [tilespmem:s6+$0xFFFFFFC0]  }
0x34: {  	v15 =	vld [tilespmem:s5+$0xFFFFFFC0]  }
0x35: {  	v16 =	vld [tilespmem:s6+$0xFFFFFFB0]  }
0x36: {  	v17 =	vld [tilespmem:s6+$0xFFFFFFA0]  }
0x37: {  	v19 =	vld [tilespmem:s6+$0xFFFFFF90];
	v18 =	vsub.f32 v7, v4  }
0x38: {  	v20 =	vld [tilespmem:s6+$0xFFFFFF80];
	v8 =	vsub.f32 v8, v6;
	v7 =	vsub.f32 v10, v6  }
0x39: {  	v21 =	vld [tilespmem:s5+$0xFFFFFF90];
	v10 =	vsub.f32 v11, v5;
	v9 =	vsub.f32 v9, v6  }
0x3a: {  	v22 =	vld [tilespmem:s9+$0xFFFFFF80];
	v12 =	vsub.f32 v12, v6;
	v13 =	vsub.f32 v13, v4  }
0x3b: {  	v24 =	vld [tilespmem:s9+$0xFFFFFF90];
	v14 =	vsub.f32 v14, v6;
	v15 =	vsub.f32 v15, v5  }
0x3c: {  	v25 =	vld [tilespmem:s5+$0xFFFFFFA0];
	v16 =	vsub.f32 v16, v6;
	v17 =	vsub.f32 v17, v6  }
0x3d: {  	v23 =	vimm.f32 $-1.000000000e+00;
	v11 =	vld [tilespmem:s5+$0xFFFFFF80];
	v19 =	vsub.f32 v19, v6;
	v20 =	vsub.f32 v20, v6  }
0x3e: {  	v26 =	vld [tilespmem:s5+$0xFFFFFFB0];
	v21 =	vsub.f32 v21, v5;
	v7 =	vmul.f32 v7, v7;
	v10 =	vmul.f32 v10, v10  }
0x3f: {  	s26 =	simm.s32 $0x6080;
	v27 =	vld [tilespmem:s9+$0xFFFFFFA0];
	v22 =	vsub.f32 v22, v4;
	v12 =	vmul.f32 v12, v12;
	v18 =	vmul.f32 v18, v18  }
0x40: {  	v28 =	vld [tilespmem:s26+$0xFFFFFF80];
	v24 =	vsub.f32 v24, v4;
	v15 =	vmul.f32 v15, v15;
	v14 =	vmul.f32 v14, v14  }
0x41: {  	v58 =	vld [tilespmem:s26+$0xFFFFFFC0];
	v19 =	vmul.f32 v19, v19;
	v21 =	vmul.f32 v21, v21;
	v10 =	vadd.f32 v7, v10  }
0x42: {  	v20 =	vmul.f32 v20, v20;
	v14 =	vadd.f32 v14, v15;
	v15 =	vld [tilespmem:s26+$0xFFFFFF90];
	v11 =	vsub.f32 v11, v5  }
0x43: {  	v29 =	vld [tilespmem:s26+$0xFFFFFFB0];
	v17 =	vmul.f32 v17, v17;
	v19 =	vadd.f32 v19, v21;
	v21 =	vmul.f32 v24, v24  }
0x44: {  	v16 =	vmul.f32 v16, v16;
	v10 =	vadd.f32 v10, v18;
	v18 =	vld [tilespmem:s9+$0xFFFFFFB0];
	v11 =	vmul.f32 v11, v11  }
0x45: {  	v60 =	vld [tilespmem:s9+$0x10];
	v13 =	vmul.f32 v13, v13;
	v9 =	vmul.f32 v9, v9;
	v19 =	vadd.f32 v19, v21  }
0x46: {  	v62 =	vld [tilespmem:s5+$0x40];
	v21 =	vsub.f32 v27, v4;
	v11 =	vadd.f32 v20, v11;
	v20 =	vmul.f32 v22, v22  }
0x47: {  	v13 =	vadd.f32 v14, v13;
	v22 =	vsub.f32 v26, v5;
	v15 =	vmin.f32 v15, v19;
	v19 =	vld [tilespmem:s5+$0xFFFFFFE0]  }
0x48: {  	v61 =	vld [tilespmem:s5+$0x20];
	v8 =	vmul.f32 v8, v8;
	v11 =	vadd.f32 v11, v20;
	v20 =	vsub.f32 v25, v5  }
0x49: {  	v21 =	vmul.f32 v21, v21;
	v25 =	vld [tilespmem:s9+$0xFFFFFFD0];
	v18 =	vsub.f32 v18, v4;
	v22 =	vmul.f32 v22, v22  }
0x4a: {  	v24 =	vld [tilespmem:s5+$0xFFFFFFD0];
	v13 =	vmin.f32 v58, v13;
	v11 =	vmin.f32 v28, v11;
	v20 =	vmul.f32 v20, v20  }
0x4b: {  	v27 =	vld [tilespmem:s6+$0xFFFFFFE0];
	v16 =	vadd.f32 v16, v22;
	v18 =	vmul.f32 v18, v18;
	vm0 =	vgt.f32 v11, v23  }
0x4c: {  	v22 =	vld [tilespmem:s9+$0xFFFFFFE0];
	v28 =	vsub.f32 v62, v5;
	v19 =	vsub.f32 v19, v5;
	v23 =	vsel vm0, v11, v23  }
0x4d: {  	v26 =	vld [tilespmem:s26+$0xFFFFFFA0];
	v17 =	vadd.f32 v17, v20;
	v20 =	vsel vm0, s20, v3;
	v16 =	vadd.f32 v16, v18  }
0x4e: {  	[tilespmem:s26+$0xFFFFFF80] =	vst v11;
	v11 =	vsub.f32 v61, v5;
	vm1 =	vgt.f32 v15, v23;
	v25 =	vsub.f32 v25, v4  }
0x4f: {  	s0 =	simm.s32 $0x1;
	v18 =	vld [tilespmem:s5+$0x10];
	v19 =	vmul.f32 v19, v19;
	v23 =	vsel vm1, v15, v23;
	v17 =	vadd.f32 v17, v21  }
0x50: {  	v59 =	vld [tilespmem:s6+$0x10];
	v20 =	vsel vm1, s0, v20;
	v21 =	vsub.f32 v24, v5;
	v16 =	vmin.f32 v29, v16  }
0x51: {  	v30 =	vld [tilespmem:s9+$0x20];
	v24 =	vmul.f32 v25, v25;
	v25 =	vsub.f32 v27, v6;
	v22 =	vsub.f32 v22, v4  }
0x52: {  	v29 =	vsub.f32 v60, v4;
	v27 =	vld [tilespmem:s5+$0x0];
	v17 =	vmin.f32 v26, v17;
	v21 =	vmul.f32 v21, v21  }
0x53: {  	v14 =	vld [tilespmem:s26+$0xFFFFFFD0];
	v25 =	vmul.f32 v25, v25;
	vm0 =	vgt.f32 v17, v23;
	v22 =	vmul.f32 v22, v22  }
0x54: {  	s2 =	simm.s32 $0x2;
	v31 =	vld [tilespmem:s5+$0x30];
	v18 =	vsub.f32 v18, v5;
	v12 =	vadd.f32 v12, v21;
	v23 =	vsel vm0, v17, v23  }
0x55: {  	v21 =	vld [tilespmem:s26+$0xFFFFFFE0];
	v20 =	vsel vm0, s2, v20;
	vm0 =	vgt.f32 v16, v23;
	v19 =	vadd.f32 v25, v19  }
0x56: {  	v26 =	vld [tilespmem:s9+$0x0];
	v18 =	vmul.f32 v18, v18;
	v23 =	vsel vm0, v16, v23;
	v12 =	vadd.f32 v12, v24  }
0x57: {  	v25 =	vld [tilespmem:s26+$0xFFFFFFF0];
	v24 =	vsub.f32 v27, v5;
	vm1 =	vgt.f32 v13, v23;
	v19 =	vadd.f32 v19, v22  }
0x58: {  	s3 =	simm.s32 $0x3;
	v22 =	vld [tilespmem:s6+$0x20];
	v23 =	vsel vm1, v13, v23;
	v14 =	vmin.f32 v14, v12;
	v12 =	vsub.f32 v59, v6  }
0x59: {  	v63 =	vld [tilespmem:s26+$0x20];
	v20 =	vsel vm0, s3, v20;
	v24 =	vmul.f32 v24, v24;
	vm3 =	vgt.f32 v14, v23  }
0x5a: {  	v7 =	vld [tilespmem:s26+$0x40];
	v19 =	vmin.f32 v21, v19;
	v23 =	vsel vm3, v14, v23;
	v12 =	vmul.f32 v12, v12  }
0x5b: {  	[tilespmem:s26+$0xFFFFFFA0] =	vst v17;
	v17 =	vld [tilespmem:s26+$0x10];
	v9 =	vadd.f32 v9, v24;
	v24 =	vsub.f32 v26, v4;
	vm0 =	vgt.f32 v19, v23  }
0x5c: {  	v11 =	vmul.f32 v11, v11;
	v27 =	vld [tilespmem:s6+$0x40];
	v25 =	vmin.f32 v25, v10;
	v23 =	vsel vm0, v19, v23  }
0x5d: {  	s4 =	simm.s32 $0x4;
	v22 =	vsub.f32 v22, v6;
	v12 =	vadd.f32 v12, v18;
	v18 =	vld [tilespmem:s26+$0x0];
	v24 =	vmul.f32 v24, v24  }
0x5e: {  	[tilespmem:s26+$0xFFFFFFC0] =	vst v13;
	v20 =	vsel vm1, s4, v20;
	v21 =	vld [tilespmem:s6+$0x30];
	v26 =	vmul.f32 v29, v29;
	vm2 =	vgt.f32 v25, v23  }
0x5f: {  	[tilespmem:s26+$0xFFFFFF90] =	vst v15;
	v10 =	vld [tilespmem:s9+$0x30];
	v15 =	vmul.f32 v22, v22;
	v22 =	vsub.f32 v30, v4;
	v9 =	vadd.f32 v9, v24  }
0x60: {  	s7 =	simm.s32 $0x5;
	[tilespmem:s26+$0xFFFFFFB0] =	vst v16;
	v24 =	vsub.f32 v31, v5;
	v13 =	vsel vm2, v25, v23;
	v23 =	vadd.f32 v12, v26;
	v26 =	vld [tilespmem:s5+$0x50]  }
0x61: {  	v20 =	vsel vm3, s7, v20;
	[tilespmem:s26+$0xFFFFFFE0] =	vst v19;
	v19 =	vld [tilespmem:s9+$0x50];
	v16 =	vmul.f32 v22, v22;
	v11 =	vadd.f32 v15, v11  }
0x62: {  	s8 =	simm.s32 $0x6;
	[tilespmem:s26+$0xFFFFFFD0] =	vst v14;
	v12 =	vmul.f32 v24, v24;
	v22 =	vld [tilespmem:s9+$0x40];
	v15 =	vsub.f32 v27, v6;
	v14 =	vmin.f32 v18, v9  }
0x63: {  	s10 =	simm.s32 $0x7;
	v9 =	vld [tilespmem:s26+$0x70];
	v18 =	vsel vm0, s8, v20;
	vm1 =	vgt.f32 v14, v13;
	v20 =	vadd.f32 v11, v16  }
0x64: {  	[tilespmem:s26+$0xFFFFFFF0] =	vst v25;
	v17 =	vmin.f32 v17, v23;
	v11 =	vsel vm2, s10, v18;
	v16 =	vld [tilespmem:s6+$0x60];
	v24 =	vsel vm1, v14, v13  }
0x65: {  	s31 =	simm.s32 $0x10;
	s29 =	simm.s32 $0x0;
	s28 =	simm.s32 $0x6080;
	[tilespmem:s26+$0x10] =	vst v17;
	v18 =	vld [tilespmem:s5+$0x60];
	vm0 =	vgt.f32 v17, v24;
	v13 =	vmin.f32 v63, v20;
	v20 =	vsub.f32 v26, v5  }
0x66: {  	s30 =	smov.u32 s9;
	s0 =	smov.u32 s5;
	s3 =	smov.u32 s6;
	[tilespmem:s26+$0x0] =	vst v14;
	v14 =	vsel vm0, v17, v24;
	v24 =	vsub.f32 v21, v6;
	v21 =	vmul.f32 v15, v15;
	v15 =	vld [tilespmem:s26+$0x50]  }
0x67: {  	s4 =	sadd.s32 $0x100, s9;
	v23 =	vmul.f32 v28, v28;
	s8 =	smov.u32 s5;
	s10 =	smov.u32 s6;
	[tilespmem:s26+$0x20] =	vst v13;
	v22 =	vsub.f32 v22, v4;
	v17 =	vld [tilespmem:s9+$0x60];
	vm2 =	vgt.f32 v13, v14  }
.LBB2_5:
0x68: {  	v25 =	vld [tilespmem:s4+$0xFFFFFFF0];
	v24 =	vmul.f32 v24, v24;
	v19 =	vsub.f32 v19, v4;
	v20 =	vmul.f32 v20, v20;
	s0 =	sadd.s32 $0x100, s0;
	s26 =	sadd.s32 $0x100, s26;
	s3 =	sadd.s32 $0x100, s3  }
0x69: {  	p1 =	slt.u32 s31, $0xF0;
	v10 =	vsub.f32 v10, v4;
	s7 =	smov.u32 s31;
	s31 =	sadd.s32 $0x10, s31;
	v26 =	vld [tilespmem:s26+$0x40];
	v21 =	vadd.f32 v21, v23;
	v22 =	vmul.f32 v22, v22  }
0x6a: {  	s2 =	sadd.s32 $0x8, s29;
	v16 =	vsub.f32 v16, v6;
	v8 =	vadd.f32 v8, v20;
	v19 =	vmul.f32 v19, v19;
	v20 =	vld [tilespmem:s10+$0x70];
	s10 =	smov.u32 s3  }
0x6b: {  	v11 =	vsel vm1, s2, v11;
	v18 =	vsub.f32 v18, v5;
	v23 =	vld [tilespmem:s28+$0x30];
	v21 =	vadd.f32 v21, v22  }
0x6c: {  	v12 =	vadd.f32 v24, v12;
	v10 =	vmul.f32 v10, v10;
	v8 =	vadd.f32 v8, v19;
	v19 =	vld [tilespmem:s8+$0x70];
	s8 =	smov.u32 s0  }
0x6d: {  	v18 =	vmul.f32 v18, v18;
	v22 =	vsub.f32 v25, v4;
	v21 =	vmin.f32 v7, v21;
	v24 =	vld [tilespmem:s30+$0x70];
	s30 =	smov.u32 s4  }
0x6e: {  	s2 =	sadd.s32 $0x9, s29;
	v10 =	vadd.f32 v12, v10;
	[tilespmem:s28+$0x40] =	vst v21;
	v12 =	vmin.f32 v15, v8;
	v8 =	vsub.f32 v17, v4;
	v15 =	vld [tilespmem:s28+$0x60]  }
0x6f: {  	v11 =	vsel vm0, s2, v11;
	s2 =	sadd.s32 $0xA, s29;
	v16 =	vmul.f32 v16, v16;
	v7 =	vmovc v26;
	v17 =	vld [tilespmem:s3+$0x50];
	[tilespmem:s28+$0x50] =	vst v12;
	v20 =	vsub.f32 v20, v6  }
0x70: {  	v13 =	vsel vm2, v13, v14;
	v11 =	vsel vm2, s2, v11;
	v25 =	vld [tilespmem:s3+$0x0];
	v10 =	vmin.f32 v23, v10  }
0x71: {  	v23 =	vmul.f32 v8, v8;
	v14 =	vld [tilespmem:s3+$0xFFFFFFF0];
	[tilespmem:s28+$0x30] =	vst v10;
	vm0 =	vgt.f32 v10, v13;
	v8 =	vsub.f32 v19, v5  }
0x72: {  	s2 =	sadd.s32 $0xB, s29;
	v19 =	vld [tilespmem:s0+$0xFFFFFFF0];
	v10 =	vsel vm0, v10, v13;
	v13 =	vadd.f32 v16, v18;
	v16 =	vmul.f32 v20, v20  }
0x73: {  	v11 =	vsel vm0, s2, v11;
	s2 =	sadd.s32 $0xC, s29;
	v18 =	vld [tilespmem:s3+$0xFFFFFFD0];
	vm0 =	vgt.f32 v21, v10;
	v8 =	vmul.f32 v8, v8  }
0x74: {  	v20 =	vld [tilespmem:s4+$0xFFFFFFC0];
	v17 =	vsub.f32 v17, v6;
	v10 =	vsel vm0, v21, v10;
	v21 =	vsel vm0, s2, v11  }
0x75: {  	v24 =	vsub.f32 v24, v4;
	s2 =	sadd.s32 $0xD, s29;
	v26 =	vld [tilespmem:s3+$0xFFFFFFC0];
	v11 =	vsub.f32 v25, v6;
	vm0 =	vgt.f32 v12, v10  }
0x76: {  	v16 =	vadd.f32 v16, v8;
	v25 =	vld [tilespmem:s0+$0xFFFFFFC0];
	v14 =	vsub.f32 v14, v6;
	v21 =	vsel vm0, s2, v21  }
0x77: {  	v13 =	vadd.f32 v13, v23;
	v8 =	vmul.f32 v17, v17;
	v27 =	vld [tilespmem:s3+$0xFFFFFFB0];
	v19 =	vsub.f32 v19, v5  }
0x78: {  	v10 =	vsel vm0, v12, v10;
	v17 =	vld [tilespmem:s3+$0xFFFFFFA0];
	v18 =	vsub.f32 v18, v6;
	v14 =	vmul.f32 v14, v14  }
0x79: {  	v13 =	vmin.f32 v15, v13;
	v23 =	vld [tilespmem:s3+$0xFFFFFF90];
	v20 =	vsub.f32 v20, v4;
	v19 =	vmul.f32 v19, v19  }
0x7a: {  	vm0 =	vgt.f32 v13, v10;
	v15 =	vld [tilespmem:s0+$0xFFFFFF80];
	v26 =	vsub.f32 v26, v6;
	v12 =	vmul.f32 v18, v18;
	[tilespmem:s28+$0x60] =	vst v13  }
0x7b: {  	v18 =	vld [tilespmem:s3+$0xFFFFFF80];
	v25 =	vsub.f32 v25, v5;
	v14 =	vadd.f32 v14, v19;
	v19 =	vmul.f32 v24, v24  }
0x7c: {  	v22 =	vmul.f32 v22, v22;
	v13 =	vsel vm0, v13, v10;
	v24 =	vld [tilespmem:s0+$0xFFFFFF90];
	v27 =	vsub.f32 v27, v6  }
0x7d: {  	s2 =	sadd.s32 $0xE, s29;
	v28 =	vld [tilespmem:s4+$0xFFFFFF80];
	v17 =	vsub.f32 v17, v6;
	v25 =	vmul.f32 v25, v25;
	v16 =	vadd.f32 v16, v19  }
0x7e: {  	v10 =	vadd.f32 v14, v22;
	v14 =	vsel vm0, s2, v21;
	v19 =	vld [tilespmem:s4+$0xFFFFFF90];
	v23 =	vsub.f32 v23, v6  }
0x7f: {  	v22 =	vmul.f32 v27, v27;
	v15 =	vsub.f32 v15, v5;
	v21 =	vld [tilespmem:s0+$0xFFFFFFA0];
	v17 =	vmul.f32 v17, v17  }
0x80: {  	v26 =	vmul.f32 v26, v26;
	v18 =	vsub.f32 v18, v6;
	v23 =	vmul.f32 v23, v23;
	v27 =	vld [tilespmem:s0+$0xFFFFFFB0]  }
0x81: {  	v9 =	vmin.f32 v9, v16;
	v15 =	vmul.f32 v15, v15;
	v24 =	vsub.f32 v24, v5;
	v29 =	vld [tilespmem:s4+$0xFFFFFFA0]  }
0x82: {  	v25 =	vadd.f32 v26, v25;
	v16 =	vsub.f32 v28, v4;
	v18 =	vmul.f32 v18, v18;
	v28 =	vld [tilespmem:s4+$0xFFFFFFB0];
	[tilespmem:s28+$0x70] =	vst v9;
	s28 =	smov.u32 s26  }
0x83: {  	vm0 =	vgt.f32 v9, v13;
	v26 =	vld [tilespmem:s26+$0xFFFFFF80];
	v19 =	vsub.f32 v19, v4;
	v24 =	vmul.f32 v24, v24  }
0x84: {  	v9 =	vsel vm0, v9, v13;
	v15 =	vadd.f32 v18, v15;
	v16 =	vmul.f32 v16, v16;
	v18 =	vld [tilespmem:s26+$0xFFFFFF90]  }
0x85: {  	s2 =	sadd.s32 $0xF, s29;
	s29 =	smov.u32 s7;
	v13 =	vadd.f32 v23, v24;
	v19 =	vmul.f32 v19, v19;
	v23 =	vsub.f32 v27, v5;
	v24 =	vld [tilespmem:s0+$0xFFFFFFD0]  }
0x86: {  	v14 =	vsel vm0, s2, v14;
	v15 =	vadd.f32 v15, v16;
	v16 =	vsub.f32 v21, v5;
	v21 =	vld [tilespmem:s4+$0xFFFFFFD0]  }
0x87: {  	v20 =	vmul.f32 v20, v20;
	v13 =	vadd.f32 v13, v19;
	v19 =	vsub.f32 v29, v4;
	v27 =	vld [tilespmem:s26+$0xFFFFFFA0]  }
0x88: {  	v23 =	vmul.f32 v23, v23;
	v15 =	vmin.f32 v26, v15;
	v26 =	vsub.f32 v28, v4;
	v28 =	vld [tilespmem:s3+$0xFFFFFFE0]  }
0x89: {  	v16 =	vmul.f32 v16, v16;
	[tilespmem:s26+$0xFFFFFF80] =	vst v15;
	vm0 =	vgt.f32 v15, v9;
	v13 =	vmin.f32 v18, v13;
	v18 =	vld [tilespmem:s0+$0xFFFFFFE0]  }
0x8a: {  	v9 =	vsel vm0, v15, v9;
	v14 =	vsel vm0, s29, v14;
	[tilespmem:s26+$0xFFFFFF90] =	vst v13;
	v15 =	vmul.f32 v19, v19;
	v19 =	vld [tilespmem:s26+$0xFFFFFFC0]  }
0x8b: {  	s2 =	sadd.s32 $0x1, s29;
	v16 =	vadd.f32 v17, v16;
	vm0 =	vgt.f32 v13, v9;
	v17 =	vld [tilespmem:s26+$0xFFFFFFB0];
	v21 =	vsub.f32 v21, v4  }
0x8c: {  	v9 =	vsel vm0, v13, v9;
	v13 =	vsel vm0, s2, v14;
	v14 =	vadd.f32 v22, v23;
	v22 =	vld [tilespmem:s4+$0xFFFFFFE0]  }
0x8d: {  	v20 =	vadd.f32 v25, v20;
	v15 =	vadd.f32 v16, v15;
	v16 =	vmul.f32 v26, v26;
	v23 =	vld [tilespmem:s26+$0xFFFFFFD0]  }
0x8e: {  	v24 =	vsub.f32 v24, v5;
	v21 =	vmul.f32 v21, v21;
	v25 =	vsub.f32 v28, v6;
	v26 =	vld [tilespmem:s0+$0x0]  }
0x8f: {  	v11 =	vmul.f32 v11, v11;
	v15 =	vmin.f32 v27, v15;
	v14 =	vadd.f32 v14, v16;
	v16 =	vld [tilespmem:s0+$0x10]  }
0x90: {  	v18 =	vsub.f32 v18, v5;
	v19 =	vmin.f32 v19, v20;
	v20 =	vmul.f32 v24, v24;
	[tilespmem:s26+$0xFFFFFFA0] =	vst v15;
	v24 =	vld [tilespmem:s4+$0x0]  }
0x91: {  	v14 =	vmin.f32 v17, v14;
	[tilespmem:s26+$0xFFFFFFC0] =	vst v19;
	v17 =	vsub.f32 v22, v4;
	v22 =	vmul.f32 v25, v25;
	v25 =	vld [tilespmem:s3+$0x10]  }
0x92: {  	s2 =	sadd.s32 $0x2, s29;
	vm0 =	vgt.f32 v15, v9;
	v18 =	vmul.f32 v18, v18;
	v12 =	vadd.f32 v12, v20;
	[tilespmem:s26+$0xFFFFFFB0] =	vst v14;
	v20 =	vld [tilespmem:s26+$0xFFFFFFE0]  }
0x93: {  	v9 =	vsel vm0, v15, v9;
	v13 =	vsel vm0, s2, v13;
	v15 =	vmul.f32 v17, v17;
	v17 =	vld [tilespmem:s4+$0x10]  }
0x94: {  	vm1 =	vgt.f32 v14, v9;
	v18 =	vadd.f32 v22, v18;
	v26 =	vsub.f32 v26, v5;
	v22 =	vld [tilespmem:s26+$0xFFFFFFF0]  }
0x95: {  	v9 =	vsel vm1, v14, v9;
	v12 =	vadd.f32 v12, v21;
	v14 =	vsub.f32 v16, v5;
	v16 =	vld [tilespmem:s3+$0x40]  }
0x96: {  	vm0 =	vgt.f32 v19, v9;
	v15 =	vadd.f32 v18, v15;
	v18 =	vsub.f32 v25, v6;
	v21 =	vld [tilespmem:s3+$0x20]  }
0x97: {  	v9 =	vsel vm0, v19, v9;
	v12 =	vmin.f32 v23, v12;
	v19 =	vmul.f32 v26, v26;
	v23 =	vld [tilespmem:s0+$0x20]  }
0x98: {  	vm2 =	vgt.f32 v12, v9;
	v14 =	vmul.f32 v14, v14;
	v15 =	vmin.f32 v20, v15;
	[tilespmem:s26+$0xFFFFFFD0] =	vst v12;
	v25 =	vld [tilespmem:s3+$0x30]  }
0x99: {  	s2 =	sadd.s32 $0x3, s29;
	v9 =	vsel vm2, v12, v9;
	v18 =	vmul.f32 v18, v18;
	[tilespmem:s26+$0xFFFFFFE0] =	vst v15;
	v12 =	vmin.f32 v22, v10;
	v20 =	vld [tilespmem:s4+$0x20]  }
0x9a: {  	v13 =	vsel vm1, s2, v13;
	vm1 =	vgt.f32 v15, v9;
	v17 =	vsub.f32 v17, v4;
	[tilespmem:s26+$0xFFFFFFF0] =	vst v12;
	v22 =	vld [tilespmem:s0+$0x30]  }
0x9b: {  	v11 =	vadd.f32 v11, v19;
	v9 =	vsel vm1, v15, v9;
	v15 =	vsub.f32 v21, v6;
	v10 =	vld [tilespmem:s4+$0x30]  }
0x9c: {  	v19 =	vsub.f32 v24, v4;
	v14 =	vadd.f32 v18, v14;
	v17 =	vmul.f32 v17, v17;
	v21 =	vld [tilespmem:s26+$0x0]  }
0x9d: {  	vm3 =	vgt.f32 v12, v9;
	v18 =	vsub.f32 v23, v5;
	v15 =	vmul.f32 v15, v15;
	v23 =	vld [tilespmem:s0+$0x40]  }
0x9e: {  	s2 =	sadd.s32 $0x4, s29;
	v24 =	vsel vm3, v12, v9;
	v9 =	vmul.f32 v19, v19;
	v12 =	vsub.f32 v20, v4;
	v20 =	vld [tilespmem:s26+$0x20]  }
0x9f: {  	v13 =	vsel vm0, s2, v13;
	s2 =	sadd.s32 $0x5, s29;
	v18 =	vmul.f32 v18, v18;
	v26 =	vld [tilespmem:s26+$0x10];
	v19 =	vsub.f32 v22, v5  }
0xa0: {  	v13 =	vsel vm2, s2, v13;
	v9 =	vadd.f32 v11, v9;
	v11 =	vmul.f32 v12, v12;
	v22 =	vld [tilespmem:s0+$0x50]  }
0xa1: {  	v14 =	vadd.f32 v14, v17;
	v15 =	vadd.f32 v15, v18;
	v12 =	vmul.f32 v19, v19;
	v17 =	vld [tilespmem:s4+$0x40]  }
0xa2: {  	s2 =	sadd.s32 $0x6, s29;
	v18 =	vmin.f32 v21, v9;
	v21 =	vsub.f32 v16, v6;
	v23 =	vsub.f32 v23, v5;
	v9 =	vld [tilespmem:s26+$0x70]  }
.Ltmp1:
0xa3: {  	v13 =	vsel vm1, s2, v13;
	s2 =	sadd.s32 $0x7, s29;
	vm1 =	vgt.f32 v18, v24;
	v15 =	vadd.f32 v15, v11;
	[tilespmem:s26+$0x0] =	vst v18;
	v19 =	vld [tilespmem:s4+$0x50];
	(pc) =	sbr.rel @p1 .LBB2_5-.Ltmp1, $4  }
0xa4: {  	v11 =	vsel vm3, s2, v13;
	v24 =	vsel vm1, v18, v24;
	v14 =	vmin.f32 v26, v14;
	v16 =	vld [tilespmem:s3+$0x60]  }
0xa5: {  	v13 =	vmin.f32 v20, v15;
	[tilespmem:s26+$0x10] =	vst v14;
	vm0 =	vgt.f32 v14, v24;
	v20 =	vsub.f32 v22, v5;
	v18 =	vld [tilespmem:s0+$0x60]  }
0xa6: {  	v21 =	vmul.f32 v21, v21;
	v14 =	vsel vm0, v14, v24;
	[tilespmem:s26+$0x20] =	vst v13;
	v24 =	vsub.f32 v25, v6;
	v15 =	vld [tilespmem:s26+$0x50]  }
0xa7: {  	s4 =	sadd.s32 $0x100, s4;
	v23 =	vmul.f32 v23, v23;
	v22 =	vsub.f32 v17, v4;
	vm2 =	vgt.f32 v13, v14;
	v17 =	vld [tilespmem:s30+$0x60]  }
0xa8: {  	v51 =	vld [tilespmem:s10+$0x70]  }
0xa9: {  	v24 =	vmul.f32 v24, v24;
	v19 =	vsub.f32 v19, v4;
	v20 =	vmul.f32 v20, v20;
	v52 =	vld [tilespmem:s28+$0x30]  }
0xaa: {  	v10 =	vsub.f32 v10, v4;
	v53 =	vld [tilespmem:s8+$0x70];
	v21 =	vadd.f32 v21, v23;
	v22 =	vmul.f32 v22, v22  }
0xab: {  	v54 =	vld [tilespmem:s30+$0x70];
	v16 =	vsub.f32 v16, v6;
	v8 =	vadd.f32 v8, v20;
	v19 =	vmul.f32 v19, v19  }
0xac: {  	v12 =	vadd.f32 v24, v12;
	v10 =	vmul.f32 v10, v10;
	v18 =	vsub.f32 v18, v5  }
0xad: {  	v13 =	vsel vm2, v13, v14;
	v21 =	vadd.f32 v21, v22;
	v16 =	vmul.f32 v16, v16  }
0xae: {  	v8 =	vadd.f32 v8, v19;
	v10 =	vadd.f32 v12, v10;
	v55 =	vmul.f32 v18, v18  }
0xaf: {  	v17 =	vsub.f32 v17, v4;
	v7 =	vmin.f32 v7, v21;
	v56 =	vsub.f32 v51, v6  }
0xb0: {  	v5 =	vsub.f32 v53, v5;
	v4 =	vsub.f32 v54, v4;
	v10 =	vmin.f32 v52, v10  }
0xb1: {  	v58 =	vld [tilespmem:s28+$0x60];
	v57 =	vmul.f32 v17, v17;
	v12 =	vadd.f32 v16, v55;
	vm3 =	vgt.f32 v10, v13  }
0xb2: {  	v6 =	vmul.f32 v56, v56;
	v5 =	vmul.f32 v5, v5;
	v13 =	vsel vm3, v10, v13  }
0xb3: {  	v8 =	vmin.f32 v15, v8;
	v4 =	vmul.f32 v4, v4;
	vm4 =	vgt.f32 v7, v13  }
0xb4: {  	v59 =	vadd.f32 v12, v57;
	v5 =	vadd.f32 v6, v5;
	v13 =	vsel vm4, v7, v13  }
0xb5: {  	vm5 =	vgt.f32 v8, v13  }
0xb6: {  	v6 =	vmin.f32 v58, v59;
	v4 =	vadd.f32 v5, v4;
	v60 =	vsel vm5, v8, v13  }
0xb7: {  	vm6 =	vgt.f32 v6, v60  }
0xb8: {  	v4 =	vmin.f32 v9, v4;
	v5 =	vsel vm6, v6, v60  }
0xb9: {  	s0 =	sadd.s32 $0x8, s29;
	vm7 =	vgt.f32 v4, v5  }
0xba: {  	s2 =	sadd.s32 $0x9, s29;
	v61 =	vsel vm1, s0, v11;
	v5 =	vsel vm7, v4, v5  }
0xbb: {  	s3 =	sadd.s32 $0xA, s29;
	v9 =	vsel vm0, s2, v61;
	(xrf0) =	vmax.scan.msk.f32 $0xffff, v5  }
0xbc: {  	s4 =	sadd.s32 $0xB, s29;
	v9 =	vsel vm2, s3, v9  }
0xbd: {  	s7 =	sadd.s32 $0xC, s29;
	v9 =	vsel vm3, s4, v9  }
0xbe: {  	s8 =	sadd.s32 $0xD, s29;
	v9 =	vsel vm4, s7, v9  }
0xbf: {  	s10 =	sadd.s32 $0xE, s29;
	v9 =	vsel vm5, s8, v9  }
0xc0: {  	s26 =	sadd.s32 $0xF, s29;
	v9 =	vsel vm6, s10, v9  }
0xc1: {  	v9 =	vsel vm7, s26, v9;
	v62, _, _ =	vpop (xrf0)  }
0xc2: {  	v9 =	vshll.u32 v9, $0x4;
	v63 =	vbroadcast v62, $0xF  }
0xc3: {  	v9 =	vadd.s32 v0, v9  }
0xc4: {  	vm15 =	veq.f32 v5, v63;
	v5 =	vxor.u32 v2, v9  }
0xc5: {  	v5 =	vnsel vm15, $0xC0000000, v5  }
0xc6: {  	(xrf0) =	vmin.scan.msk.u32 $0xffff, v5;
	_ =	sdelay $0x5  }
0xc7: {  	v5, _, _ =	vpop (xrf0)  }
0xc8: {  	(v2sf) =	vpush v5, $0xF  }
0xc9: {  	(v2sf) =	vpush v62, $0xF;
	_ =	sdelay $0xb  }
0xca: {  	[tilespmem:s28+$0x40] =	vst v7  }
0xcb: {  	[tilespmem:s28+$0x50] =	vst v8;
	s2 =	sand.u32 $0x1, s25  }
0xcc: {  	[tilespmem:s28+$0x30] =	vst v10;
	p1 =	seq.s32 s2, $0x0;
	s4 =	smov.u32 s24;
	s3 =	spop (v2sf)  }
0xcd: {  	[tilespmem:s28+$0x60] =	vst v6;
	s4 =	smov.u32 @p1 s23;
	s7 =	sshll.u32 s2, $0x1;
	s0 =	spop (v2sf)  }
0xce: {  	[tilespmem:s28+$0x70] =	vst v4;
	[sflag:s11] =	ssyncset.done $0x0;
	s28 =	sor.u32 s15, s7;
	s4 =	ssub.s32 s0, s4  }
0xcf: {  	s25 =	sadd.s32 $0x1, s25;
	[smem:s28], [sflag:$0x1] =	smem.add.s32 s4  }
0xd0: {  	s29 =	sshll.u32 s25, $0xD;
	s8 =	sshllo.u32 s2, $0x1;
	_ =	swait.done [sflag:s11]  }
0xd1: {  	s10 =	smov.u32 s22;
	s3 =	sxor.u32 $0x80000000, s3;
	[sflag:s11] =	ssyncset.s32 $0x0  }
0xd2: {  	s10 =	smov.u32 @p1 s21;
	s4 =	sor.u32 s29, s3;
	[sflag:s11] =	ssyncset.done $0x0  }
0xd3: {  	s31 =	sor.u32 s15, s8;
	s30 =	ssub.s32 s4, s10;
	[sflag:s16] =	ssyncset.done $0x0  }
0xd4: {  	[smem:s31], [sflag:$0x2] =	smem.add.s32 s30  }
0xd5: {  	_ =	swait.done [sflag:s16]  }
0xd6: {  	[sflag:s16] =	ssyncset.s32 $0x0  }
0xd7: {  	[sflag:s16] =	ssyncset.done $0x0  }
.LBB2_7:
0xd8: {  	s10 =	sshll.u32 s1, $0x10  }
0xd9: {  	[sflag:s17] =	ssyncset.done $0x0;
	s2 =	sor.u32 s10, s8  }
0xda: {  	[smem:s2], [sflag:$0x3] =	smem.add.s32 $0x0  }
0xdb: {  	_ =	swait.done [sflag:s17]  }
0xdc: {  	s26 =	ssyncread [sflag:$0x3];
	_ =	sdelay $0x2  }
0xdd: {  	s31 =	sshra.s32 s26, $0xD  }
0xde: {  	p2 =	sne.s32 s31, s25  }
.Ltmp2:
0xdf: {  	_ = 	snop;
	(pc) =	sbr.rel @p2 .LBB2_7-.Ltmp2, $3  }
0xe0: {  	_ =	sdelay $0x1  }
0xe1: {  	[sflag:s17] =	ssyncset.s32 $0x0  }
0xe2: {  	[sflag:s17] =	ssyncset.done $0x0  }
0xe3: {  	[sflag:s18] =	ssyncset.done $0x0;
	s2 =	sor.u32 s10, s7  }
0xe4: {  	[smem:s2], [sflag:$0x4] =	smem.add.s32 $0x0  }
0xe5: {  	_ =	swait.done [sflag:s18]  }
0xe6: {  	s31 =	ssyncread [sflag:$0x4];
	_ =	sdelay $0x1  }
0xe7: {  	s7 =	sand.u32 $0x1FFF, s26  }
0xe8: {  	s8 =	smov.u32 s3;
	s23 =	smov.u32 @p1 s0;
	p2 =	seq.s32 s31, s0  }
0xe9: {  	s21 =	smov.u32 @p1 s4;
	s4 =	smov.u32 @p1 s22;
	s8 =	smov.u32 @p2 s7  }
0xea: {  	p2 =	sgt.s32 s31, s0;
	s0 =	smov.u32 @p1 s24;
	p1 =	sne.s32 s25, $0x800  }
.Ltmp3:
0xeb: {  	_ = 	snop;
	(pc) =	sbr.rel @p1 .LBB2_4-.Ltmp3, $4  }
0xec: {  	p3 =	slt.s32 s7, s3  }
0xed: {  	s3 =	smov.u32 @p3 s8  }
0xee: {  	[sflag:s18] =	ssyncset.s32 $0x0;
	s3 =	smov.u32 @p2 s7  }
0xef: {  	s22 =	smov.u32 s4;
	[sflag:s18] =	ssyncset.done $0x0;
	s24 =	smov.u32 s0;
	v7 =	vmov s3  }
0xf0: {  	s0 =	simm.s32 @!p0 $0x0;
	s2 =	simm.s32 @!p0 $0x7000;
	s3 =	rddreg [dreg:$0x5]  }
0xf1: {  	[hbm4b:s3+s0] =	stream.linear.scatter @!p0 [tilespmem:s2], [sflag:$0x1], $0x800, $0x38;
	[tilespmem:$0x7800] =	vst v63  }
0xf2: {  	s0 =	simm.s32 @!p0 $0x1  }
0xf3: {  	_ =	swait.ge @!p0 [sflag:s0], $0x800  }
0xf4: {  	s19 =	sadd.s32 $0x1, s19;
	s31 =	rddreg [dreg:$0x6]  }
0xf5: {  	p1 =	sne.s32 s19, s31  }
.Ltmp4:
0xf6: {  	_ = 	snop;
	(pc) =	sbr.rel @p1 .LBB2_1-.Ltmp4, $3  }
0xf7: {  	_ =	sdelay $0x1  }
0xf8: {  	[sflag:s0] =	ssyncset.done @!p0 $0x0  }
0xf9: {  	[sflag:s0] =	ssyncadd.s32 @!p0 $0xFFFFF800  }
0xfa: {  	_ =	sfence.sel $0x180000  }
0xfb: {  	[bflag:$0x0] =	sbarrier.arrive $0xFFFF  }
0xfc: {  	_ =	strace $0x90000047  }
0xfd: {  	[bflag:$0x2] =	sbarrier.arrive $0xFFFF  }
0xfe: {  	p0 =	sne.s32 s1, $0x0;
	s0 =	rddreg [dreg:$0x1]  }
0xff: {  	s0 =	sadd.s32 @!p0 $0x100000, s0  }
0x100: {  	[sflag:s0] =	ssyncadd.tile.s32 @!p0 $0x1;
	_ =	shalt  }
.Lfunc_end2:
_tile_overlayer_lowered:
.L_overlay_start_2:
0x101: {  	(tag) =	ssettag $0x2  }
0x102: {  	s0 =	rddreg [dreg:$0x0];
	s2 =	stileid.u32  }
0x103: {  	s1 =	rddreg [dreg:$0x1];
	p0 =	sne.s32 s2, $0x0  }
0x104: {  	s3 =	rddreg [dreg:$0x2];
	[bflag:$0x3] =	sbarrier.arrive $0xFFFF;
	s2 =	simm.s32 @!p0 $0x1C01  }
0x105: {  	[timem:s3], [sflag:s2] =	dma.local @!p0 [hbm:s0], s1  }
0x106: {  	s0 =	simm.s32 @!p0 $0x1  }
0x107: {  	_ =	swait.ge @!p0 [sflag:s0], s1  }
0x108: {  	s1 =	ssub.s32 @!p0 $0x0, s1;
	[sflag:s0] =	ssyncset.done @!p0 $0x0  }
0x109: {  	[sflag:s0] =	ssyncadd.s32 @!p0 s1  }
0x10a: {  	[bflag:$0x3] =	sbarrier.arrive $0xFFFF  }
0x10b: {  	_ =	shalt  }

</sc_bundles>
